<compile_context>
chip_gen: v7x
topology: tpu7x:2x2x1
jax: 0.10.2.dev20260603
libtpu: 0.0.44.dev20260713+nightly
codegen_flags: <defaults>
</compile_context>

<pallas_src>
import functools

import jax
import jax.numpy as jnp
from jax import lax
from jax.experimental import pallas as pl
from jax.experimental.pallas import tpu as pltpu
from jax.experimental.pallas import tpu_sc as plsc

_B, _D, _R = 16384, 128, 1000
_NC, _NS, _L = 2, 16, 16
_NW = _NC * _NS
_RPW = _B // _NW
_C = 128
_NCHUNK = _RPW // _C


def _build():
    mesh = plsc.VectorSubcoreMesh(core_axis_name="c", subcore_axis_name="s")

    @functools.partial(
        pl.kernel,
        mesh=mesh,
        out_type=jax.ShapeDtypeStruct((_B,), jnp.float32),
        compiler_params=pltpu.CompilerParams(
            needs_layout_passes=False,
            skip_device_barrier=True,
            disable_bounds_checks=True,
            disable_semaphore_checks=True,
        ),
        scratch_types=[
            pltpu.VMEM((_NCHUNK, _C), jnp.int32),
            pltpu.VMEM((3, _C, _D), jnp.float32),
            pltpu.VMEM((2, _C, _D), jnp.float32),
            pltpu.VMEM((2, _C, _D), jnp.float32),
            pltpu.VMEM((_C + _L,), jnp.float32),
            pltpu.VMEM((_L,), jnp.float32),
            pltpu.SemaphoreType.DMA((3,)),
            pltpu.SemaphoreType.DMA((2,)),
            pltpu.SemaphoreType.DMA,
        ],
    )
    def k(s_hbm, r_hbm, o_hbm, rel_hbm, scale_hbm, out_hbm,
          idx_v, w_v, s_v, o_v, out_v, scale_v,
          wsem, sosem, psem):
        wid = lax.axis_index("s") * _NC + lax.axis_index("c")
        base = wid * _RPW
        lane = lax.iota(jnp.int32, _L)
        last_lane = lane == (_L - 1)

        def issue_w(c):
            buf = lax.rem(c, 3)
            return pltpu.async_copy(rel_hbm.at[idx_v.at[c]], w_v.at[buf],
                                    wsem.at[buf])

        def issue_so(c):
            buf = lax.rem(c, 2)
            cb = base + c * _C
            return (
                pltpu.async_copy(s_hbm.at[pl.ds(cb, _C), :], s_v.at[buf],
                                 sosem.at[buf]),
                pltpu.async_copy(o_hbm.at[pl.ds(cb, _C), :], o_v.at[buf],
                                 sosem.at[buf]),
            )

        issue_so(jnp.int32(0))
        idx_cp = pltpu.async_copy(
            r_hbm.at[pl.ds(wid * _NCHUNK, _NCHUNK), :], idx_v, psem)
        scale_cp = pltpu.async_copy(scale_hbm, scale_v, psem)
        idx_cp.wait()
        issue_w(jnp.int32(0))
        issue_w(jnp.int32(1))
        scale_cp.wait()
        scale_vec = scale_v[...]

        def chunk(c, carry):
            sobuf = lax.rem(c, 2)
            wbuf = lax.rem(c, 3)
            cb = base + c * _C
            pltpu.make_async_copy(rel_hbm.at[idx_v.at[c]], w_v.at[wbuf],
                                  wsem.at[wbuf]).wait()
            pltpu.make_async_copy(s_hbm.at[pl.ds(cb, _C), :], s_v.at[sobuf],
                                  sosem.at[sobuf]).wait()
            pltpu.make_async_copy(o_hbm.at[pl.ds(cb, _C), :], o_v.at[sobuf],
                                  sosem.at[sobuf]).wait()

            @pl.when(c + 2 < _NCHUNK)
            def _():
                issue_w(c + 2)

            @pl.when(c + 1 < _NCHUNK)
            def _():
                issue_so(c + 1)

            wb, sb, ob = w_v.at[wbuf], s_v.at[sobuf], o_v.at[sobuf]

            @plsc.parallel_loop(0, _C, 1, unroll=2)
            def row(i, wb=wb, sb=sb, ob=ob):
                t = [(sb[i, pl.ds(j * _L, _L)]
                      * wb[i, pl.ds(j * _L, _L)]
                      * ob[i, pl.ds(j * _L, _L)])
                     for j in range(_D // _L)]
                while len(t) > 1:
                    t = [t[2 * m] + t[2 * m + 1] for m in range(len(t) // 2)]
                cum = plsc.cumsum(t[0])
                plsc.store_compressed(out_v.at[pl.ds(i, _L)], cum,
                                      mask=last_lane)

            for jj in range(_C // _L):
                sl = pl.ds(jj * _L, _L)
                out_v[sl] = out_v[sl] * scale_vec
            pltpu.sync_copy(out_v.at[pl.ds(0, _C)], out_hbm.at[pl.ds(cb, _C)])
            return carry

        lax.fori_loop(0, _NCHUNK, chunk, 0)

    return k


_sc_kernel = _build()


def kernel(s, r, o, rel, scale):
    r32 = r.astype(jnp.int32).reshape(_B // _C, _C)
    scale_vec = jnp.full((_L,), scale, dtype=jnp.float32)
    return _sc_kernel(s, r32, o, rel, scale_vec)

# --- scband reference (transcript-rebuilt; emitter-appended) ---
"""Pipeline reference for scband-dist-mult-head-13305808683459 (READ-ONLY COPY).

The authoritative reference and input builder live on the scoring server;
editing this copy changes nothing except your own understanding.
"""

import jax, jax.numpy as jnp
import numpy as np

B = 16384
D = 128
R = 1000

def setup_inputs(seed: int = 0) -> dict:
    key = jax.random.key(seed)
    ks, kr, ko, kw = jax.random.split(key, 4)
    s = jax.random.normal(ks, (B, D), dtype=jnp.float32)
    o = jax.random.normal(ko, (B, D), dtype=jnp.float32)
    r = jax.random.randint(kr, (B,), 0, R, dtype=jnp.int64)
    rel = jax.random.normal(kw, (R, D), dtype=jnp.float32) * 0.02
    scale = jnp.asarray(5.0, dtype=jnp.float32)
    return {"s": s, "r": r, "o": o, "rel": rel, "scale": scale}

def reference(s, r, o, rel, scale):
    w = jnp.take(rel, r, axis=0)
    return scale * jnp.sum(s * w * o, axis=-1)

if __name__ == "__main__":
    import jax
    _d = setup_inputs()
    print(jax.jit(kernel)(*tuple(_d.values())))

</pallas_src>

<mosaic_0001>
#map = affine_map<(d0, d1) -> (0, 0)>
#map1 = affine_map<(d0, d1) -> (0)>
module attributes {stable_mosaic.version = 14 : i64} {
  func.func @k(%arg0: i32, %arg1: i32, %arg2: memref<16384x128xf32, #tpu.memory_space<hbm>>, %arg3: memref<128x128xi32, #tpu.memory_space<hbm>>, %arg4: memref<16384x128xf32, #tpu.memory_space<hbm>>, %arg5: memref<1000x128xf32, #tpu.memory_space<hbm>>, %arg6: memref<16xf32, #tpu.memory_space<hbm>>, %arg7: memref<16384xf32, #tpu.memory_space<hbm>>, %arg8: memref<4x128xi32, #tpu.memory_space<vmem>>, %arg9: memref<3x128x128xf32, #tpu.memory_space<vmem>>, %arg10: memref<2x128x128xf32, #tpu.memory_space<vmem>>, %arg11: memref<2x128x128xf32, #tpu.memory_space<vmem>>, %arg12: memref<144xf32, #tpu.memory_space<vmem>>, %arg13: memref<16xf32, #tpu.memory_space<vmem>>, %arg14: memref<3x!tpu.dma_semaphore, #tpu.memory_space<semaphore_mem>>, %arg15: memref<2x!tpu.dma_semaphore, #tpu.memory_space<semaphore_mem>>, %arg16: memref<!tpu.dma_semaphore, #tpu.memory_space<semaphore_mem>>) attributes {dimension_semantics = [#tpu.dimension_semantics<core_parallel>, #tpu.dimension_semantics<subcore_parallel>], iteration_bounds = array<i64: 2, 16>, scalar_prefetch = 0 : i64, scratch_operands = 9 : i64, tpu.core_type = #tpu.core_type<sc_vector_subcore>, window_params = [{transform_indices = #map}, {transform_indices = #map}, {transform_indices = #map}, {transform_indices = #map}, {transform_indices = #map1}, {transform_indices = #map1}]} {
    %mul3A = arith.constant 2 : i32
    %mul3A_0 = arith.muli %arg1, %mul3A : i32
    %add3A = arith.addi %mul3A_0, %arg0 : i32
    %mul3A_1 = arith.constant 512 : i32
    %mul3A_2 = arith.muli %add3A, %mul3A_1 : i32
    %iota3A = tpu.iota {dimensions = array<i32: 0>} : vector<16xi32>
    %eq3A = arith.constant 15 : i32
    %eq3A_3 = vector.broadcast %eq3A : i32 to vector<16xi32>
    %eq3A_4 = arith.cmpi eq, %iota3A, %eq3A_3 : vector<16xi32>
    %rem3A = arith.constant 0 : i32
    %rem3A_5 = arith.constant 2 : i32
    %rem3A_6 = arith.remsi %rem3A, %rem3A_5 : i32
    %mul3A_7 = arith.constant 0 : i32
    %mul3A_8 = arith.constant 128 : i32
    %mul3A_9 = arith.muli %mul3A_7, %mul3A_8 : i32
    %add3A_10 = arith.addi %mul3A_2, %mul3A_9 : i32
    %dma_start3A = arith.constant 0 : i32
    %dma_start3A_11 = arith.constant 0 : i32
    %dma_start3A_12 = tpu.memref_slice %arg10[%rem3A_6, %dma_start3A, %dma_start3A_11] : memref<2x128x128xf32, #tpu.memory_space<vmem>> -> memref<1x128x128xf32, #tpu.memory_space<vmem>>
    %dma_start3A_13 = tpu.memref_squeeze %dma_start3A_12 : memref<1x128x128xf32, #tpu.memory_space<vmem>> -> memref<128x128xf32, #tpu.memory_space<vmem>>
    %dma_start3A_14 = arith.constant 0 : i32
    %dma_start3A_15 = tpu.memref_slice %arg2[%add3A_10, %dma_start3A_14] : memref<16384x128xf32, #tpu.memory_space<hbm>> -> memref<128x128xf32, #tpu.memory_space<hbm>>
    %dma_start3A_16 = tpu.memref_slice %arg15[%rem3A_6] : memref<2x!tpu.dma_semaphore, #tpu.memory_space<semaphore_mem>> -> memref<1x!tpu.dma_semaphore, #tpu.memory_space<semaphore_mem>>
    %dma_start3A_17 = tpu.memref_squeeze %dma_start3A_16 : memref<1x!tpu.dma_semaphore, #tpu.memory_space<semaphore_mem>> -> memref<!tpu.dma_semaphore, #tpu.memory_space<semaphore_mem>>
    %dma_start3A_18 = arith.constant 0 : i32
    %dma_start3A_19 = arith.constant 0 : i32
    %dma_start3A_20 = tpu.memref_slice %arg10[%rem3A_6, %dma_start3A_18, %dma_start3A_19] : memref<2x128x128xf32, #tpu.memory_space<vmem>> -> memref<1x128x128xf32, #tpu.memory_space<vmem>>
    %dma_start3A_21 = tpu.memref_squeeze %dma_start3A_20 : memref<1x128x128xf32, #tpu.memory_space<vmem>> -> memref<128x128xf32, #tpu.memory_space<vmem>>
    %dma_start3A_22 = arith.constant 0 : i32
    %dma_start3A_23 = tpu.memref_slice %arg2[%add3A_10, %dma_start3A_22] : memref<16384x128xf32, #tpu.memory_space<hbm>> -> memref<128x128xf32, #tpu.memory_space<hbm>>
    tpu.enqueue_dma source(%dma_start3A_23 : memref<128x128xf32, #tpu.memory_space<hbm>>) target(%dma_start3A_21 : memref<128x128xf32, #tpu.memory_space<vmem>>) target_semaphore(%dma_start3A_17 : memref<!tpu.dma_semaphore, #tpu.memory_space<semaphore_mem>>)
    %dma_start3A_24 = arith.constant 0 : i32
    %dma_start3A_25 = arith.constant 0 : i32
    %dma_start3A_26 = tpu.memref_slice %arg11[%rem3A_6, %dma_start3A_24, %dma_start3A_25] : memref<2x128x128xf32, #tpu.memory_space<vmem>> -> memref<1x128x128xf32, #tpu.memory_space<vmem>>
    %dma_start3A_27 = tpu.memref_squeeze %dma_start3A_26 : memref<1x128x128xf32, #tpu.memory_space<vmem>> -> memref<128x128xf32, #tpu.memory_space<vmem>>
    %dma_start3A_28 = arith.constant 0 : i32
    %dma_start3A_29 = tpu.memref_slice %arg4[%add3A_10, %dma_start3A_28] : memref<16384x128xf32, #tpu.memory_space<hbm>> -> memref<128x128xf32, #tpu.memory_space<hbm>>
    %dma_start3A_30 = tpu.memref_slice %arg15[%rem3A_6] : memref<2x!tpu.dma_semaphore, #tpu.memory_space<semaphore_mem>> -> memref<1x!tpu.dma_semaphore, #tpu.memory_space<semaphore_mem>>
    %dma_start3A_31 = tpu.memref_squeeze %dma_start3A_30 : memref<1x!tpu.dma_semaphore, #tpu.memory_space<semaphore_mem>> -> memref<!tpu.dma_semaphore, #tpu.memory_space<semaphore_mem>>
    %dma_start3A_32 = arith.constant 0 : i32
    %dma_start3A_33 = arith.constant 0 : i32
    %dma_start3A_34 = tpu.memref_slice %arg11[%rem3A_6, %dma_start3A_32, %dma_start3A_33] : memref<2x128x128xf32, #tpu.memory_space<vmem>> -> memref<1x128x128xf32, #tpu.memory_space<vmem>>
    %dma_start3A_35 = tpu.memref_squeeze %dma_start3A_34 : memref<1x128x128xf32, #tpu.memory_space<vmem>> -> memref<128x128xf32, #tpu.memory_space<vmem>>
    %dma_start3A_36 = arith.constant 0 : i32
    %dma_start3A_37 = tpu.memref_slice %arg4[%add3A_10, %dma_start3A_36] : memref<16384x128xf32, #tpu.memory_space<hbm>> -> memref<128x128xf32, #tpu.memory_space<hbm>>
    tpu.enqueue_dma source(%dma_start3A_37 : memref<128x128xf32, #tpu.memory_space<hbm>>) target(%dma_start3A_35 : memref<128x128xf32, #tpu.memory_space<vmem>>) target_semaphore(%dma_start3A_31 : memref<!tpu.dma_semaphore, #tpu.memory_space<semaphore_mem>>)
    %mul3A_38 = arith.constant 4 : i32
    %mul3A_39 = arith.muli %add3A, %mul3A_38 : i32
    %dma_start3A_40 = arith.constant 0 : i32
    %dma_start3A_41 = tpu.memref_slice %arg3[%mul3A_39, %dma_start3A_40] : memref<128x128xi32, #tpu.memory_space<hbm>> -> memref<4x128xi32, #tpu.memory_space<hbm>>
    %dma_start3A_42 = arith.constant 0 : i32
    %dma_start3A_43 = tpu.memref_slice %arg3[%mul3A_39, %dma_start3A_42] : memref<128x128xi32, #tpu.memory_space<hbm>> -> memref<4x128xi32, #tpu.memory_space<hbm>>
    tpu.enqueue_dma source(%dma_start3A_43 : memref<4x128xi32, #tpu.memory_space<hbm>>) target(%arg8 : memref<4x128xi32, #tpu.memory_space<vmem>>) target_semaphore(%arg16 : memref<!tpu.dma_semaphore, #tpu.memory_space<semaphore_mem>>)
    tpu.enqueue_dma source(%arg6 : memref<16xf32, #tpu.memory_space<hbm>>) target(%arg13 : memref<16xf32, #tpu.memory_space<vmem>>) target_semaphore(%arg16 : memref<!tpu.dma_semaphore, #tpu.memory_space<semaphore_mem>>)
    %dma_wait3A = arith.constant 0 : i32
    %dma_wait3A_44 = tpu.memref_slice %arg3[%mul3A_39, %dma_wait3A] : memref<128x128xi32, #tpu.memory_space<hbm>> -> memref<4x128xi32, #tpu.memory_space<hbm>>
    %dma_wait3A_45 = arith.constant 0 : i32
    %dma_wait3A_46 = tpu.memref_slice %arg3[%mul3A_39, %dma_wait3A_45] : memref<128x128xi32, #tpu.memory_space<hbm>> -> memref<4x128xi32, #tpu.memory_space<hbm>>
    tpu.wait_dma2 semaphore(%arg16 : memref<!tpu.dma_semaphore, #tpu.memory_space<semaphore_mem>>) src(%dma_wait3A_46 : memref<4x128xi32, #tpu.memory_space<hbm>>) dst(%arg8 : memref<4x128xi32, #tpu.memory_space<vmem>>)
    %rem3A_47 = arith.constant 0 : i32
    %rem3A_48 = arith.constant 3 : i32
    %rem3A_49 = arith.remsi %rem3A_47, %rem3A_48 : i32
    %dma_start3A_50 = arith.constant 0 : i32
    %dma_start3A_51 = arith.constant 0 : i32
    %dma_start3A_52 = arith.constant 0 : i32
    %dma_start3A_53 = tpu.memref_slice %arg9[%rem3A_49, %dma_start3A_51, %dma_start3A_52] : memref<3x128x128xf32, #tpu.memory_space<vmem>> -> memref<1x128x128xf32, #tpu.memory_space<vmem>>
    %dma_start3A_54 = tpu.memref_squeeze %dma_start3A_53 : memref<1x128x128xf32, #tpu.memory_space<vmem>> -> memref<128x128xf32, #tpu.memory_space<vmem>>
    %dma_start3A_55 = arith.constant 0 : i32
    %dma_start3A_56 = tpu.memref_slice %arg8[%dma_start3A_50, %dma_start3A_55] : memref<4x128xi32, #tpu.memory_space<vmem>> -> memref<1x128xi32, #tpu.memory_space<vmem>>
    %dma_start3A_57 = tpu.memref_squeeze %dma_start3A_56 : memref<1x128xi32, #tpu.memory_space<vmem>> -> memref<128xi32, #tpu.memory_space<vmem>>
    %dma_start3A_58 = arith.constant 0 : i32
    %dma_start3A_59 = arith.constant 0 : i32
    %dma_start3A_60 = tpu.memref_slice %arg5[%dma_start3A_58, %dma_start3A_59] : memref<1000x128xf32, #tpu.memory_space<hbm>> -> memref<1000x128xf32, #tpu.memory_space<hbm>>
    %dma_start3A_61 = tpu.memref_slice %arg14[%rem3A_49] : memref<3x!tpu.dma_semaphore, #tpu.memory_space<semaphore_mem>> -> memref<1x!tpu.dma_semaphore, #tpu.memory_space<semaphore_mem>>
    %dma_start3A_62 = tpu.memref_squeeze %dma_start3A_61 : memref<1x!tpu.dma_semaphore, #tpu.memory_space<semaphore_mem>> -> memref<!tpu.dma_semaphore, #tpu.memory_space<semaphore_mem>>
    tpu.enqueue_indirect_dma source(%dma_start3A_60 : memref<1000x128xf32, #tpu.memory_space<hbm>>) target(%dma_start3A_54 : memref<128x128xf32, #tpu.memory_space<vmem>>) offsets(%dma_start3A_57 : memref<128xi32, #tpu.memory_space<vmem>>) semaphore(%dma_start3A_62 : memref<!tpu.dma_semaphore, #tpu.memory_space<semaphore_mem>>)
    %rem3A_63 = arith.constant 1 : i32
    %rem3A_64 = arith.constant 3 : i32
    %rem3A_65 = arith.remsi %rem3A_63, %rem3A_64 : i32
    %dma_start3A_66 = arith.constant 1 : i32
    %dma_start3A_67 = arith.constant 0 : i32
    %dma_start3A_68 = arith.constant 0 : i32
    %dma_start3A_69 = tpu.memref_slice %arg9[%rem3A_65, %dma_start3A_67, %dma_start3A_68] : memref<3x128x128xf32, #tpu.memory_space<vmem>> -> memref<1x128x128xf32, #tpu.memory_space<vmem>>
    %dma_start3A_70 = tpu.memref_squeeze %dma_start3A_69 : memref<1x128x128xf32, #tpu.memory_space<vmem>> -> memref<128x128xf32, #tpu.memory_space<vmem>>
    %dma_start3A_71 = arith.constant 0 : i32
    %dma_start3A_72 = tpu.memref_slice %arg8[%dma_start3A_66, %dma_start3A_71] : memref<4x128xi32, #tpu.memory_space<vmem>> -> memref<1x128xi32, #tpu.memory_space<vmem>>
    %dma_start3A_73 = tpu.memref_squeeze %dma_start3A_72 : memref<1x128xi32, #tpu.memory_space<vmem>> -> memref<128xi32, #tpu.memory_space<vmem>>
    %dma_start3A_74 = arith.constant 0 : i32
    %dma_start3A_75 = arith.constant 0 : i32
    %dma_start3A_76 = tpu.memref_slice %arg5[%dma_start3A_74, %dma_start3A_75] : memref<1000x128xf32, #tpu.memory_space<hbm>> -> memref<1000x128xf32, #tpu.memory_space<hbm>>
    %dma_start3A_77 = tpu.memref_slice %arg14[%rem3A_65] : memref<3x!tpu.dma_semaphore, #tpu.memory_space<semaphore_mem>> -> memref<1x!tpu.dma_semaphore, #tpu.memory_space<semaphore_mem>>
    %dma_start3A_78 = tpu.memref_squeeze %dma_start3A_77 : memref<1x!tpu.dma_semaphore, #tpu.memory_space<semaphore_mem>> -> memref<!tpu.dma_semaphore, #tpu.memory_space<semaphore_mem>>
    tpu.enqueue_indirect_dma source(%dma_start3A_76 : memref<1000x128xf32, #tpu.memory_space<hbm>>) target(%dma_start3A_70 : memref<128x128xf32, #tpu.memory_space<vmem>>) offsets(%dma_start3A_73 : memref<128xi32, #tpu.memory_space<vmem>>) semaphore(%dma_start3A_78 : memref<!tpu.dma_semaphore, #tpu.memory_space<semaphore_mem>>)
    tpu.wait_dma2 semaphore(%arg16 : memref<!tpu.dma_semaphore, #tpu.memory_space<semaphore_mem>>) src(%arg6 : memref<16xf32, #tpu.memory_space<hbm>>) dst(%arg13 : memref<16xf32, #tpu.memory_space<vmem>>)
    %get3A = arith.constant 0 : index
    %get3A_79 = tpu.vector_load %arg13[%get3A] {strides = array<i32>} : memref<16xf32, #tpu.memory_space<vmem>>, vector<16xf32>,
    %scan3A = arith.constant 0 : i32
    %scan3A_80 = arith.constant 0 : i32
    %scan3A_81 = arith.constant 4 : i32
    %scan3A_82 = arith.addi %scan3A_80, %scan3A_81 : i32
    %scan3A_83 = arith.constant 1 : i32
    scf.for %scan3A_85 = %scan3A_80 to %scan3A_82 step %scan3A_83  : i32 {
      %rem3A_86 = arith.constant 2 : i32
      %rem3A_87 = arith.remsi %scan3A_85, %rem3A_86 : i32
      %rem3A_88 = arith.constant 3 : i32
      %rem3A_89 = arith.remsi %scan3A_85, %rem3A_88 : i32
      %mul3A_90 = arith.constant 128 : i32
      %mul3A_91 = arith.muli %scan3A_85, %mul3A_90 : i32
      %add3A_92 = arith.addi %mul3A_2, %mul3A_91 : i32
      %dma_wait3A_93 = arith.constant 0 : i32
      %dma_wait3A_94 = arith.constant 0 : i32
      %dma_wait3A_95 = tpu.memref_slice %arg9[%rem3A_89, %dma_wait3A_93, %dma_wait3A_94] : memref<3x128x128xf32, #tpu.memory_space<vmem>> -> memref<1x128x128xf32, #tpu.memory_space<vmem>>
      %dma_wait3A_96 = tpu.memref_squeeze %dma_wait3A_95 : memref<1x128x128xf32, #tpu.memory_space<vmem>> -> memref<128x128xf32, #tpu.memory_space<vmem>>
      %dma_wait3A_97 = arith.constant 0 : i32
      %dma_wait3A_98 = tpu.memref_slice %arg8[%scan3A_85, %dma_wait3A_97] : memref<4x128xi32, #tpu.memory_space<vmem>> -> memref<1x128xi32, #tpu.memory_space<vmem>>
      %dma_wait3A_99 = tpu.memref_squeeze %dma_wait3A_98 : memref<1x128xi32, #tpu.memory_space<vmem>> -> memref<128xi32, #tpu.memory_space<vmem>>
      %dma_wait3A_100 = arith.constant 0 : i32
      %dma_wait3A_101 = arith.constant 0 : i32
      %dma_wait3A_102 = tpu.memref_slice %arg5[%dma_wait3A_100, %dma_wait3A_101] : memref<1000x128xf32, #tpu.memory_space<hbm>> -> memref<1000x128xf32, #tpu.memory_space<hbm>>
      %dma_wait3A_103 = tpu.memref_slice %arg14[%rem3A_89] : memref<3x!tpu.dma_semaphore, #tpu.memory_space<semaphore_mem>> -> memref<1x!tpu.dma_semaphore, #tpu.memory_space<semaphore_mem>>
      %dma_wait3A_104 = tpu.memref_squeeze %dma_wait3A_103 : memref<1x!tpu.dma_semaphore, #tpu.memory_space<semaphore_mem>> -> memref<!tpu.dma_semaphore, #tpu.memory_space<semaphore_mem>>
      tpu.wait_indirect_dma semaphore(%dma_wait3A_104 : memref<!tpu.dma_semaphore, #tpu.memory_space<semaphore_mem>>) src(%dma_wait3A_102 : memref<1000x128xf32, #tpu.memory_space<hbm>>) dst(%dma_wait3A_96 : memref<128x128xf32, #tpu.memory_space<vmem>>)
      %dma_wait3A_105 = arith.constant 0 : i32
      %dma_wait3A_106 = arith.constant 0 : i32
      %dma_wait3A_107 = tpu.memref_slice %arg10[%rem3A_87, %dma_wait3A_105, %dma_wait3A_106] : memref<2x128x128xf32, #tpu.memory_space<vmem>> -> memref<1x128x128xf32, #tpu.memory_space<vmem>>
      %dma_wait3A_108 = tpu.memref_squeeze %dma_wait3A_107 : memref<1x128x128xf32, #tpu.memory_space<vmem>> -> memref<128x128xf32, #tpu.memory_space<vmem>>
      %dma_wait3A_109 = arith.constant 0 : i32
      %dma_wait3A_110 = tpu.memref_slice %arg2[%add3A_92, %dma_wait3A_109] : memref<16384x128xf32, #tpu.memory_space<hbm>> -> memref<128x128xf32, #tpu.memory_space<hbm>>
      %dma_wait3A_111 = tpu.memref_slice %arg15[%rem3A_87] : memref<2x!tpu.dma_semaphore, #tpu.memory_space<semaphore_mem>> -> memref<1x!tpu.dma_semaphore, #tpu.memory_space<semaphore_mem>>
      %dma_wait3A_112 = tpu.memref_squeeze %dma_wait3A_111 : memref<1x!tpu.dma_semaphore, #tpu.memory_space<semaphore_mem>> -> memref<!tpu.dma_semaphore, #tpu.memory_space<semaphore_mem>>
      %dma_wait3A_113 = arith.constant 0 : i32
      %dma_wait3A_114 = arith.constant 0 : i32
      %dma_wait3A_115 = tpu.memref_slice %arg10[%rem3A_87, %dma_wait3A_113, %dma_wait3A_114] : memref<2x128x128xf32, #tpu.memory_space<vmem>> -> memref<1x128x128xf32, #tpu.memory_space<vmem>>
      %dma_wait3A_116 = tpu.memref_squeeze %dma_wait3A_115 : memref<1x128x128xf32, #tpu.memory_space<vmem>> -> memref<128x128xf32, #tpu.memory_space<vmem>>
      %dma_wait3A_117 = arith.constant 0 : i32
      %dma_wait3A_118 = tpu.memref_slice %arg2[%add3A_92, %dma_wait3A_117] : memref<16384x128xf32, #tpu.memory_space<hbm>> -> memref<128x128xf32, #tpu.memory_space<hbm>>
      tpu.wait_dma2 semaphore(%dma_wait3A_112 : memref<!tpu.dma_semaphore, #tpu.memory_space<semaphore_mem>>) src(%dma_wait3A_118 : memref<128x128xf32, #tpu.memory_space<hbm>>) dst(%dma_wait3A_116 : memref<128x128xf32, #tpu.memory_space<vmem>>)
      %dma_wait3A_119 = arith.constant 0 : i32
      %dma_wait3A_120 = arith.constant 0 : i32
      %dma_wait3A_121 = tpu.memref_slice %arg11[%rem3A_87, %dma_wait3A_119, %dma_wait3A_120] : memref<2x128x128xf32, #tpu.memory_space<vmem>> -> memref<1x128x128xf32, #tpu.memory_space<vmem>>
      %dma_wait3A_122 = tpu.memref_squeeze %dma_wait3A_121 : memref<1x128x128xf32, #tpu.memory_space<vmem>> -> memref<128x128xf32, #tpu.memory_space<vmem>>
      %dma_wait3A_123 = arith.constant 0 : i32
      %dma_wait3A_124 = tpu.memref_slice %arg4[%add3A_92, %dma_wait3A_123] : memref<16384x128xf32, #tpu.memory_space<hbm>> -> memref<128x128xf32, #tpu.memory_space<hbm>>
      %dma_wait3A_125 = tpu.memref_slice %arg15[%rem3A_87] : memref<2x!tpu.dma_semaphore, #tpu.memory_space<semaphore_mem>> -> memref<1x!tpu.dma_semaphore, #tpu.memory_space<semaphore_mem>>
      %dma_wait3A_126 = tpu.memref_squeeze %dma_wait3A_125 : memref<1x!tpu.dma_semaphore, #tpu.memory_space<semaphore_mem>> -> memref<!tpu.dma_semaphore, #tpu.memory_space<semaphore_mem>>
      %dma_wait3A_127 = arith.constant 0 : i32
      %dma_wait3A_128 = arith.constant 0 : i32
      %dma_wait3A_129 = tpu.memref_slice %arg11[%rem3A_87, %dma_wait3A_127, %dma_wait3A_128] : memref<2x128x128xf32, #tpu.memory_space<vmem>> -> memref<1x128x128xf32, #tpu.memory_space<vmem>>
      %dma_wait3A_130 = tpu.memref_squeeze %dma_wait3A_129 : memref<1x128x128xf32, #tpu.memory_space<vmem>> -> memref<128x128xf32, #tpu.memory_space<vmem>>
      %dma_wait3A_131 = arith.constant 0 : i32
      %dma_wait3A_132 = tpu.memref_slice %arg4[%add3A_92, %dma_wait3A_131] : memref<16384x128xf32, #tpu.memory_space<hbm>> -> memref<128x128xf32, #tpu.memory_space<hbm>>
      tpu.wait_dma2 semaphore(%dma_wait3A_126 : memref<!tpu.dma_semaphore, #tpu.memory_space<semaphore_mem>>) src(%dma_wait3A_132 : memref<128x128xf32, #tpu.memory_space<hbm>>) dst(%dma_wait3A_130 : memref<128x128xf32, #tpu.memory_space<vmem>>)
      %add3A_133 = arith.constant 2 : i32
      %add3A_134 = arith.addi %scan3A_85, %add3A_133 : i32
      %lt3A = arith.constant 4 : i32
      %lt3A_135 = arith.cmpi slt, %add3A_134, %lt3A : i32
      %convert_element_type3A = arith.extui %lt3A_135 : i1 to i32
      %cond3A = arith.constant 0 : i32
      %cond3A_136 = arith.cmpi ne, %convert_element_type3A, %cond3A : i32
      scf.if %cond3A_136 {
        %add3A_185 = arith.constant 2 : i32
        %add3A_186 = arith.addi %scan3A_85, %add3A_185 : i32
        %rem3A_187 = arith.constant 3 : i32
        %rem3A_188 = arith.remsi %add3A_186, %rem3A_187 : i32
        %dma_start3A_189 = arith.constant 0 : i32
        %dma_start3A_190 = arith.constant 0 : i32
        %dma_start3A_191 = tpu.memref_slice %arg9[%rem3A_188, %dma_start3A_189, %dma_start3A_190] : memref<3x128x128xf32, #tpu.memory_space<vmem>> -> memref<1x128x128xf32, #tpu.memory_space<vmem>>
        %dma_start3A_192 = tpu.memref_squeeze %dma_start3A_191 : memref<1x128x128xf32, #tpu.memory_space<vmem>> -> memref<128x128xf32, #tpu.memory_space<vmem>>
        %dma_start3A_193 = arith.constant 0 : i32
        %dma_start3A_194 = tpu.memref_slice %arg8[%add3A_186, %dma_start3A_193] : memref<4x128xi32, #tpu.memory_space<vmem>> -> memref<1x128xi32, #tpu.memory_space<vmem>>
        %dma_start3A_195 = tpu.memref_squeeze %dma_start3A_194 : memref<1x128xi32, #tpu.memory_space<vmem>> -> memref<128xi32, #tpu.memory_space<vmem>>
        %dma_start3A_196 = arith.constant 0 : i32
        %dma_start3A_197 = arith.constant 0 : i32
        %dma_start3A_198 = tpu.memref_slice %arg5[%dma_start3A_196, %dma_start3A_197] : memref<1000x128xf32, #tpu.memory_space<hbm>> -> memref<1000x128xf32, #tpu.memory_space<hbm>>
        %dma_start3A_199 = tpu.memref_slice %arg14[%rem3A_188] : memref<3x!tpu.dma_semaphore, #tpu.memory_space<semaphore_mem>> -> memref<1x!tpu.dma_semaphore, #tpu.memory_space<semaphore_mem>>
        %dma_start3A_200 = tpu.memref_squeeze %dma_start3A_199 : memref<1x!tpu.dma_semaphore, #tpu.memory_space<semaphore_mem>> -> memref<!tpu.dma_semaphore, #tpu.memory_space<semaphore_mem>>
        tpu.enqueue_indirect_dma source(%dma_start3A_198 : memref<1000x128xf32, #tpu.memory_space<hbm>>) target(%dma_start3A_192 : memref<128x128xf32, #tpu.memory_space<vmem>>) offsets(%dma_start3A_195 : memref<128xi32, #tpu.memory_space<vmem>>) semaphore(%dma_start3A_200 : memref<!tpu.dma_semaphore, #tpu.memory_space<semaphore_mem>>)
      } else {
      }
      %add3A_137 = arith.constant 1 : i32
      %add3A_138 = arith.addi %scan3A_85, %add3A_137 : i32
      %lt3A_139 = arith.constant 4 : i32
      %lt3A_140 = arith.cmpi slt, %add3A_138, %lt3A_139 : i32
      %convert_element_type3A_141 = arith.extui %lt3A_140 : i1 to i32
      %cond3A_142 = arith.constant 0 : i32
      %cond3A_143 = arith.cmpi ne, %convert_element_type3A_141, %cond3A_142 : i32
      scf.if %cond3A_143 {
        %add3A_185 = arith.constant 1 : i32
        %add3A_186 = arith.addi %scan3A_85, %add3A_185 : i32
        %rem3A_187 = arith.constant 2 : i32
        %rem3A_188 = arith.remsi %add3A_186, %rem3A_187 : i32
        %mul3A_189 = arith.constant 128 : i32
        %mul3A_190 = arith.muli %add3A_186, %mul3A_189 : i32
        %add3A_191 = arith.addi %mul3A_2, %mul3A_190 : i32
        %dma_start3A_192 = arith.constant 0 : i32
        %dma_start3A_193 = arith.constant 0 : i32
        %dma_start3A_194 = tpu.memref_slice %arg10[%rem3A_188, %dma_start3A_192, %dma_start3A_193] : memref<2x128x128xf32, #tpu.memory_space<vmem>> -> memref<1x128x128xf32, #tpu.memory_space<vmem>>
        %dma_start3A_195 = tpu.memref_squeeze %dma_start3A_194 : memref<1x128x128xf32, #tpu.memory_space<vmem>> -> memref<128x128xf32, #tpu.memory_space<vmem>>
        %dma_start3A_196 = arith.constant 0 : i32
        %dma_start3A_197 = tpu.memref_slice %arg2[%add3A_191, %dma_start3A_196] : memref<16384x128xf32, #tpu.memory_space<hbm>> -> memref<128x128xf32, #tpu.memory_space<hbm>>
        %dma_start3A_198 = tpu.memref_slice %arg15[%rem3A_188] : memref<2x!tpu.dma_semaphore, #tpu.memory_space<semaphore_mem>> -> memref<1x!tpu.dma_semaphore, #tpu.memory_space<semaphore_mem>>
        %dma_start3A_199 = tpu.memref_squeeze %dma_start3A_198 : memref<1x!tpu.dma_semaphore, #tpu.memory_space<semaphore_mem>> -> memref<!tpu.dma_semaphore, #tpu.memory_space<semaphore_mem>>
        %dma_start3A_200 = arith.constant 0 : i32
        %dma_start3A_201 = arith.constant 0 : i32
        %dma_start3A_202 = tpu.memref_slice %arg10[%rem3A_188, %dma_start3A_200, %dma_start3A_201] : memref<2x128x128xf32, #tpu.memory_space<vmem>> -> memref<1x128x128xf32, #tpu.memory_space<vmem>>
        %dma_start3A_203 = tpu.memref_squeeze %dma_start3A_202 : memref<1x128x128xf32, #tpu.memory_space<vmem>> -> memref<128x128xf32, #tpu.memory_space<vmem>>
        %dma_start3A_204 = arith.constant 0 : i32
        %dma_start3A_205 = tpu.memref_slice %arg2[%add3A_191, %dma_start3A_204] : memref<16384x128xf32, #tpu.memory_space<hbm>> -> memref<128x128xf32, #tpu.memory_space<hbm>>
        tpu.enqueue_dma source(%dma_start3A_205 : memref<128x128xf32, #tpu.memory_space<hbm>>) target(%dma_start3A_203 : memref<128x128xf32, #tpu.memory_space<vmem>>) target_semaphore(%dma_start3A_199 : memref<!tpu.dma_semaphore, #tpu.memory_space<semaphore_mem>>)
        %dma_start3A_206 = arith.constant 0 : i32
        %dma_start3A_207 = arith.constant 0 : i32
        %dma_start3A_208 = tpu.memref_slice %arg11[%rem3A_188, %dma_start3A_206, %dma_start3A_207] : memref<2x128x128xf32, #tpu.memory_space<vmem>> -> memref<1x128x128xf32, #tpu.memory_space<vmem>>
        %dma_start3A_209 = tpu.memref_squeeze %dma_start3A_208 : memref<1x128x128xf32, #tpu.memory_space<vmem>> -> memref<128x128xf32, #tpu.memory_space<vmem>>
        %dma_start3A_210 = arith.constant 0 : i32
        %dma_start3A_211 = tpu.memref_slice %arg4[%add3A_191, %dma_start3A_210] : memref<16384x128xf32, #tpu.memory_space<hbm>> -> memref<128x128xf32, #tpu.memory_space<hbm>>
        %dma_start3A_212 = tpu.memref_slice %arg15[%rem3A_188] : memref<2x!tpu.dma_semaphore, #tpu.memory_space<semaphore_mem>> -> memref<1x!tpu.dma_semaphore, #tpu.memory_space<semaphore_mem>>
        %dma_start3A_213 = tpu.memref_squeeze %dma_start3A_212 : memref<1x!tpu.dma_semaphore, #tpu.memory_space<semaphore_mem>> -> memref<!tpu.dma_semaphore, #tpu.memory_space<semaphore_mem>>
        %dma_start3A_214 = arith.constant 0 : i32
        %dma_start3A_215 = arith.constant 0 : i32
        %dma_start3A_216 = tpu.memref_slice %arg11[%rem3A_188, %dma_start3A_214, %dma_start3A_215] : memref<2x128x128xf32, #tpu.memory_space<vmem>> -> memref<1x128x128xf32, #tpu.memory_space<vmem>>
        %dma_start3A_217 = tpu.memref_squeeze %dma_start3A_216 : memref<1x128x128xf32, #tpu.memory_space<vmem>> -> memref<128x128xf32, #tpu.memory_space<vmem>>
        %dma_start3A_218 = arith.constant 0 : i32
        %dma_start3A_219 = tpu.memref_slice %arg4[%add3A_191, %dma_start3A_218] : memref<16384x128xf32, #tpu.memory_space<hbm>> -> memref<128x128xf32, #tpu.memory_space<hbm>>
        tpu.enqueue_dma source(%dma_start3A_219 : memref<128x128xf32, #tpu.memory_space<hbm>>) target(%dma_start3A_217 : memref<128x128xf32, #tpu.memory_space<vmem>>) target_semaphore(%dma_start3A_213 : memref<!tpu.dma_semaphore, #tpu.memory_space<semaphore_mem>>)
      } else {
      }
      %parallel_loop3A = arith.constant 0 : i32
      %parallel_loop3A_144 = arith.constant 128 : i32
      %parallel_loop3A_145 = arith.constant 1 : i32
      scf.for %parallel_loop3A_185 = %parallel_loop3A to %parallel_loop3A_144 step %parallel_loop3A_145  : i32 {
        %parallel_loop3A_186 = arith.constant 0 : i32
        %parallel_loop3A_187 = arith.constant 0 : i32
        %parallel_loop3A_188 = tpu.memref_slice %arg10[%rem3A_87, %parallel_loop3A_186, %parallel_loop3A_187] : memref<2x128x128xf32, #tpu.memory_space<vmem>> -> memref<1x128x128xf32, #tpu.memory_space<vmem>>
        %parallel_loop3A_189 = tpu.memref_squeeze %parallel_loop3A_188 : memref<1x128x128xf32, #tpu.memory_space<vmem>> -> memref<128x128xf32, #tpu.memory_space<vmem>>
        %parallel_loop3A_190 = arith.index_cast %parallel_loop3A_185 : i32 to index
        %parallel_loop3A_191 = arith.constant 0 : index
        %parallel_loop3A_192 = tpu.vector_load %parallel_loop3A_189[%parallel_loop3A_190, %parallel_loop3A_191] {strides = array<i32>} : memref<128x128xf32, #tpu.memory_space<vmem>>, vector<16xf32>,
        %parallel_loop3A_193 = arith.constant 0 : i32
        %parallel_loop3A_194 = arith.constant 0 : i32
        %parallel_loop3A_195 = tpu.memref_slice %arg9[%rem3A_89, %parallel_loop3A_193, %parallel_loop3A_194] : memref<3x128x128xf32, #tpu.memory_space<vmem>> -> memref<1x128x128xf32, #tpu.memory_space<vmem>>
        %parallel_loop3A_196 = tpu.memref_squeeze %parallel_loop3A_195 : memref<1x128x128xf32, #tpu.memory_space<vmem>> -> memref<128x128xf32, #tpu.memory_space<vmem>>
        %parallel_loop3A_197 = arith.index_cast %parallel_loop3A_185 : i32 to index
        %parallel_loop3A_198 = arith.constant 0 : index
        %parallel_loop3A_199 = tpu.vector_load %parallel_loop3A_196[%parallel_loop3A_197, %parallel_loop3A_198] {strides = array<i32>} : memref<128x128xf32, #tpu.memory_space<vmem>>, vector<16xf32>,
        %parallel_loop3A_200 = arith.mulf %parallel_loop3A_192, %parallel_loop3A_199 : vector<16xf32>
        %parallel_loop3A_201 = arith.constant 0 : i32
        %parallel_loop3A_202 = arith.constant 0 : i32
        %parallel_loop3A_203 = tpu.memref_slice %arg11[%rem3A_87, %parallel_loop3A_201, %parallel_loop3A_202] : memref<2x128x128xf32, #tpu.memory_space<vmem>> -> memref<1x128x128xf32, #tpu.memory_space<vmem>>
        %parallel_loop3A_204 = tpu.memref_squeeze %parallel_loop3A_203 : memref<1x128x128xf32, #tpu.memory_space<vmem>> -> memref<128x128xf32, #tpu.memory_space<vmem>>
        %parallel_loop3A_205 = arith.index_cast %parallel_loop3A_185 : i32 to index
        %parallel_loop3A_206 = arith.constant 0 : index
        %parallel_loop3A_207 = tpu.vector_load %parallel_loop3A_204[%parallel_loop3A_205, %parallel_loop3A_206] {strides = array<i32>} : memref<128x128xf32, #tpu.memory_space<vmem>>, vector<16xf32>,
        %parallel_loop3A_208 = arith.mulf %parallel_loop3A_200, %parallel_loop3A_207 : vector<16xf32>
        %parallel_loop3A_209 = arith.constant 0 : i32
        %parallel_loop3A_210 = arith.constant 0 : i32
        %parallel_loop3A_211 = tpu.memref_slice %arg10[%rem3A_87, %parallel_loop3A_209, %parallel_loop3A_210] : memref<2x128x128xf32, #tpu.memory_space<vmem>> -> memref<1x128x128xf32, #tpu.memory_space<vmem>>
        %parallel_loop3A_212 = tpu.memref_squeeze %parallel_loop3A_211 : memref<1x128x128xf32, #tpu.memory_space<vmem>> -> memref<128x128xf32, #tpu.memory_space<vmem>>
        %parallel_loop3A_213 = arith.index_cast %parallel_loop3A_185 : i32 to index
        %parallel_loop3A_214 = arith.constant 16 : index
        %parallel_loop3A_215 = tpu.vector_load %parallel_loop3A_212[%parallel_loop3A_213, %parallel_loop3A_214] {strides = array<i32>} : memref<128x128xf32, #tpu.memory_space<vmem>>, vector<16xf32>,
        %parallel_loop3A_216 = arith.constant 0 : i32
        %parallel_loop3A_217 = arith.constant 0 : i32
        %parallel_loop3A_218 = tpu.memref_slice %arg9[%rem3A_89, %parallel_loop3A_216, %parallel_loop3A_217] : memref<3x128x128xf32, #tpu.memory_space<vmem>> -> memref<1x128x128xf32, #tpu.memory_space<vmem>>
        %parallel_loop3A_219 = tpu.memref_squeeze %parallel_loop3A_218 : memref<1x128x128xf32, #tpu.memory_space<vmem>> -> memref<128x128xf32, #tpu.memory_space<vmem>>
        %parallel_loop3A_220 = arith.index_cast %parallel_loop3A_185 : i32 to index
        %parallel_loop3A_221 = arith.constant 16 : index
        %parallel_loop3A_222 = tpu.vector_load %parallel_loop3A_219[%parallel_loop3A_220, %parallel_loop3A_221] {strides = array<i32>} : memref<128x128xf32, #tpu.memory_space<vmem>>, vector<16xf32>,
        %parallel_loop3A_223 = arith.mulf %parallel_loop3A_215, %parallel_loop3A_222 : vector<16xf32>
        %parallel_loop3A_224 = arith.constant 0 : i32
        %parallel_loop3A_225 = arith.constant 0 : i32
        %parallel_loop3A_226 = tpu.memref_slice %arg11[%rem3A_87, %parallel_loop3A_224, %parallel_loop3A_225] : memref<2x128x128xf32, #tpu.memory_space<vmem>> -> memref<1x128x128xf32, #tpu.memory_space<vmem>>
        %parallel_loop3A_227 = tpu.memref_squeeze %parallel_loop3A_226 : memref<1x128x128xf32, #tpu.memory_space<vmem>> -> memref<128x128xf32, #tpu.memory_space<vmem>>
        %parallel_loop3A_228 = arith.index_cast %parallel_loop3A_185 : i32 to index
        %parallel_loop3A_229 = arith.constant 16 : index
        %parallel_loop3A_230 = tpu.vector_load %parallel_loop3A_227[%parallel_loop3A_228, %parallel_loop3A_229] {strides = array<i32>} : memref<128x128xf32, #tpu.memory_space<vmem>>, vector<16xf32>,
        %parallel_loop3A_231 = arith.mulf %parallel_loop3A_223, %parallel_loop3A_230 : vector<16xf32>
        %parallel_loop3A_232 = arith.constant 0 : i32
        %parallel_loop3A_233 = arith.constant 0 : i32
        %parallel_loop3A_234 = tpu.memref_slice %arg10[%rem3A_87, %parallel_loop3A_232, %parallel_loop3A_233] : memref<2x128x128xf32, #tpu.memory_space<vmem>> -> memref<1x128x128xf32, #tpu.memory_space<vmem>>
        %parallel_loop3A_235 = tpu.memref_squeeze %parallel_loop3A_234 : memref<1x128x128xf32, #tpu.memory_space<vmem>> -> memref<128x128xf32, #tpu.memory_space<vmem>>
        %parallel_loop3A_236 = arith.index_cast %parallel_loop3A_185 : i32 to index
        %parallel_loop3A_237 = arith.constant 32 : index
        %parallel_loop3A_238 = tpu.vector_load %parallel_loop3A_235[%parallel_loop3A_236, %parallel_loop3A_237] {strides = array<i32>} : memref<128x128xf32, #tpu.memory_space<vmem>>, vector<16xf32>,
        %parallel_loop3A_239 = arith.constant 0 : i32
        %parallel_loop3A_240 = arith.constant 0 : i32
        %parallel_loop3A_241 = tpu.memref_slice %arg9[%rem3A_89, %parallel_loop3A_239, %parallel_loop3A_240] : memref<3x128x128xf32, #tpu.memory_space<vmem>> -> memref<1x128x128xf32, #tpu.memory_space<vmem>>
        %parallel_loop3A_242 = tpu.memref_squeeze %parallel_loop3A_241 : memref<1x128x128xf32, #tpu.memory_space<vmem>> -> memref<128x128xf32, #tpu.memory_space<vmem>>
        %parallel_loop3A_243 = arith.index_cast %parallel_loop3A_185 : i32 to index
        %parallel_loop3A_244 = arith.constant 32 : index
        %parallel_loop3A_245 = tpu.vector_load %parallel_loop3A_242[%parallel_loop3A_243, %parallel_loop3A_244] {strides = array<i32>} : memref<128x128xf32, #tpu.memory_space<vmem>>, vector<16xf32>,
        %parallel_loop3A_246 = arith.mulf %parallel_loop3A_238, %parallel_loop3A_245 : vector<16xf32>
        %parallel_loop3A_247 = arith.constant 0 : i32
        %parallel_loop3A_248 = arith.constant 0 : i32
        %parallel_loop3A_249 = tpu.memref_slice %arg11[%rem3A_87, %parallel_loop3A_247, %parallel_loop3A_248] : memref<2x128x128xf32, #tpu.memory_space<vmem>> -> memref<1x128x128xf32, #tpu.memory_space<vmem>>
        %parallel_loop3A_250 = tpu.memref_squeeze %parallel_loop3A_249 : memref<1x128x128xf32, #tpu.memory_space<vmem>> -> memref<128x128xf32, #tpu.memory_space<vmem>>
        %parallel_loop3A_251 = arith.index_cast %parallel_loop3A_185 : i32 to index
        %parallel_loop3A_252 = arith.constant 32 : index
        %parallel_loop3A_253 = tpu.vector_load %parallel_loop3A_250[%parallel_loop3A_251, %parallel_loop3A_252] {strides = array<i32>} : memref<128x128xf32, #tpu.memory_space<vmem>>, vector<16xf32>,
        %parallel_loop3A_254 = arith.mulf %parallel_loop3A_246, %parallel_loop3A_253 : vector<16xf32>
        %parallel_loop3A_255 = arith.constant 0 : i32
        %parallel_loop3A_256 = arith.constant 0 : i32
        %parallel_loop3A_257 = tpu.memref_slice %arg10[%rem3A_87, %parallel_loop3A_255, %parallel_loop3A_256] : memref<2x128x128xf32, #tpu.memory_space<vmem>> -> memref<1x128x128xf32, #tpu.memory_space<vmem>>
        %parallel_loop3A_258 = tpu.memref_squeeze %parallel_loop3A_257 : memref<1x128x128xf32, #tpu.memory_space<vmem>> -> memref<128x128xf32, #tpu.memory_space<vmem>>
        %parallel_loop3A_259 = arith.index_cast %parallel_loop3A_185 : i32 to index
        %parallel_loop3A_260 = arith.constant 48 : index
        %parallel_loop3A_261 = tpu.vector_load %parallel_loop3A_258[%parallel_loop3A_259, %parallel_loop3A_260] {strides = array<i32>} : memref<128x128xf32, #tpu.memory_space<vmem>>, vector<16xf32>,
        %parallel_loop3A_262 = arith.constant 0 : i32
        %parallel_loop3A_263 = arith.constant 0 : i32
        %parallel_loop3A_264 = tpu.memref_slice %arg9[%rem3A_89, %parallel_loop3A_262, %parallel_loop3A_263] : memref<3x128x128xf32, #tpu.memory_space<vmem>> -> memref<1x128x128xf32, #tpu.memory_space<vmem>>
        %parallel_loop3A_265 = tpu.memref_squeeze %parallel_loop3A_264 : memref<1x128x128xf32, #tpu.memory_space<vmem>> -> memref<128x128xf32, #tpu.memory_space<vmem>>
        %parallel_loop3A_266 = arith.index_cast %parallel_loop3A_185 : i32 to index
        %parallel_loop3A_267 = arith.constant 48 : index
        %parallel_loop3A_268 = tpu.vector_load %parallel_loop3A_265[%parallel_loop3A_266, %parallel_loop3A_267] {strides = array<i32>} : memref<128x128xf32, #tpu.memory_space<vmem>>, vector<16xf32>,
        %parallel_loop3A_269 = arith.mulf %parallel_loop3A_261, %parallel_loop3A_268 : vector<16xf32>
        %parallel_loop3A_270 = arith.constant 0 : i32
        %parallel_loop3A_271 = arith.constant 0 : i32
        %parallel_loop3A_272 = tpu.memref_slice %arg11[%rem3A_87, %parallel_loop3A_270, %parallel_loop3A_271] : memref<2x128x128xf32, #tpu.memory_space<vmem>> -> memref<1x128x128xf32, #tpu.memory_space<vmem>>
        %parallel_loop3A_273 = tpu.memref_squeeze %parallel_loop3A_272 : memref<1x128x128xf32, #tpu.memory_space<vmem>> -> memref<128x128xf32, #tpu.memory_space<vmem>>
        %parallel_loop3A_274 = arith.index_cast %parallel_loop3A_185 : i32 to index
        %parallel_loop3A_275 = arith.constant 48 : index
        %parallel_loop3A_276 = tpu.vector_load %parallel_loop3A_273[%parallel_loop3A_274, %parallel_loop3A_275] {strides = array<i32>} : memref<128x128xf32, #tpu.memory_space<vmem>>, vector<16xf32>,
        %parallel_loop3A_277 = arith.mulf %parallel_loop3A_269, %parallel_loop3A_276 : vector<16xf32>
        %parallel_loop3A_278 = arith.constant 0 : i32
        %parallel_loop3A_279 = arith.constant 0 : i32
        %parallel_loop3A_280 = tpu.memref_slice %arg10[%rem3A_87, %parallel_loop3A_278, %parallel_loop3A_279] : memref<2x128x128xf32, #tpu.memory_space<vmem>> -> memref<1x128x128xf32, #tpu.memory_space<vmem>>
        %parallel_loop3A_281 = tpu.memref_squeeze %parallel_loop3A_280 : memref<1x128x128xf32, #tpu.memory_space<vmem>> -> memref<128x128xf32, #tpu.memory_space<vmem>>
        %parallel_loop3A_282 = arith.index_cast %parallel_loop3A_185 : i32 to index
        %parallel_loop3A_283 = arith.constant 64 : index
        %parallel_loop3A_284 = tpu.vector_load %parallel_loop3A_281[%parallel_loop3A_282, %parallel_loop3A_283] {strides = array<i32>} : memref<128x128xf32, #tpu.memory_space<vmem>>, vector<16xf32>,
        %parallel_loop3A_285 = arith.constant 0 : i32
        %parallel_loop3A_286 = arith.constant 0 : i32
        %parallel_loop3A_287 = tpu.memref_slice %arg9[%rem3A_89, %parallel_loop3A_285, %parallel_loop3A_286] : memref<3x128x128xf32, #tpu.memory_space<vmem>> -> memref<1x128x128xf32, #tpu.memory_space<vmem>>
        %parallel_loop3A_288 = tpu.memref_squeeze %parallel_loop3A_287 : memref<1x128x128xf32, #tpu.memory_space<vmem>> -> memref<128x128xf32, #tpu.memory_space<vmem>>
        %parallel_loop3A_289 = arith.index_cast %parallel_loop3A_185 : i32 to index
        %parallel_loop3A_290 = arith.constant 64 : index
        %parallel_loop3A_291 = tpu.vector_load %parallel_loop3A_288[%parallel_loop3A_289, %parallel_loop3A_290] {strides = array<i32>} : memref<128x128xf32, #tpu.memory_space<vmem>>, vector<16xf32>,
        %parallel_loop3A_292 = arith.mulf %parallel_loop3A_284, %parallel_loop3A_291 : vector<16xf32>
        %parallel_loop3A_293 = arith.constant 0 : i32
        %parallel_loop3A_294 = arith.constant 0 : i32
        %parallel_loop3A_295 = tpu.memref_slice %arg11[%rem3A_87, %parallel_loop3A_293, %parallel_loop3A_294] : memref<2x128x128xf32, #tpu.memory_space<vmem>> -> memref<1x128x128xf32, #tpu.memory_space<vmem>>
        %parallel_loop3A_296 = tpu.memref_squeeze %parallel_loop3A_295 : memref<1x128x128xf32, #tpu.memory_space<vmem>> -> memref<128x128xf32, #tpu.memory_space<vmem>>
        %parallel_loop3A_297 = arith.index_cast %parallel_loop3A_185 : i32 to index
        %parallel_loop3A_298 = arith.constant 64 : index
        %parallel_loop3A_299 = tpu.vector_load %parallel_loop3A_296[%parallel_loop3A_297, %parallel_loop3A_298] {strides = array<i32>} : memref<128x128xf32, #tpu.memory_space<vmem>>, vector<16xf32>,
        %parallel_loop3A_300 = arith.mulf %parallel_loop3A_292, %parallel_loop3A_299 : vector<16xf32>
        %parallel_loop3A_301 = arith.constant 0 : i32
        %parallel_loop3A_302 = arith.constant 0 : i32
        %parallel_loop3A_303 = tpu.memref_slice %arg10[%rem3A_87, %parallel_loop3A_301, %parallel_loop3A_302] : memref<2x128x128xf32, #tpu.memory_space<vmem>> -> memref<1x128x128xf32, #tpu.memory_space<vmem>>
        %parallel_loop3A_304 = tpu.memref_squeeze %parallel_loop3A_303 : memref<1x128x128xf32, #tpu.memory_space<vmem>> -> memref<128x128xf32, #tpu.memory_space<vmem>>
        %parallel_loop3A_305 = arith.index_cast %parallel_loop3A_185 : i32 to index
        %parallel_loop3A_306 = arith.constant 80 : index
        %parallel_loop3A_307 = tpu.vector_load %parallel_loop3A_304[%parallel_loop3A_305, %parallel_loop3A_306] {strides = array<i32>} : memref<128x128xf32, #tpu.memory_space<vmem>>, vector<16xf32>,
        %parallel_loop3A_308 = arith.constant 0 : i32
        %parallel_loop3A_309 = arith.constant 0 : i32
        %parallel_loop3A_310 = tpu.memref_slice %arg9[%rem3A_89, %parallel_loop3A_308, %parallel_loop3A_309] : memref<3x128x128xf32, #tpu.memory_space<vmem>> -> memref<1x128x128xf32, #tpu.memory_space<vmem>>
        %parallel_loop3A_311 = tpu.memref_squeeze %parallel_loop3A_310 : memref<1x128x128xf32, #tpu.memory_space<vmem>> -> memref<128x128xf32, #tpu.memory_space<vmem>>
        %parallel_loop3A_312 = arith.index_cast %parallel_loop3A_185 : i32 to index
        %parallel_loop3A_313 = arith.constant 80 : index
        %parallel_loop3A_314 = tpu.vector_load %parallel_loop3A_311[%parallel_loop3A_312, %parallel_loop3A_313] {strides = array<i32>} : memref<128x128xf32, #tpu.memory_space<vmem>>, vector<16xf32>,
        %parallel_loop3A_315 = arith.mulf %parallel_loop3A_307, %parallel_loop3A_314 : vector<16xf32>
        %parallel_loop3A_316 = arith.constant 0 : i32
        %parallel_loop3A_317 = arith.constant 0 : i32
        %parallel_loop3A_318 = tpu.memref_slice %arg11[%rem3A_87, %parallel_loop3A_316, %parallel_loop3A_317] : memref<2x128x128xf32, #tpu.memory_space<vmem>> -> memref<1x128x128xf32, #tpu.memory_space<vmem>>
        %parallel_loop3A_319 = tpu.memref_squeeze %parallel_loop3A_318 : memref<1x128x128xf32, #tpu.memory_space<vmem>> -> memref<128x128xf32, #tpu.memory_space<vmem>>
        %parallel_loop3A_320 = arith.index_cast %parallel_loop3A_185 : i32 to index
        %parallel_loop3A_321 = arith.constant 80 : index
        %parallel_loop3A_322 = tpu.vector_load %parallel_loop3A_319[%parallel_loop3A_320, %parallel_loop3A_321] {strides = array<i32>} : memref<128x128xf32, #tpu.memory_space<vmem>>, vector<16xf32>,
        %parallel_loop3A_323 = arith.mulf %parallel_loop3A_315, %parallel_loop3A_322 : vector<16xf32>
        %parallel_loop3A_324 = arith.constant 0 : i32
        %parallel_loop3A_325 = arith.constant 0 : i32
        %parallel_loop3A_326 = tpu.memref_slice %arg10[%rem3A_87, %parallel_loop3A_324, %parallel_loop3A_325] : memref<2x128x128xf32, #tpu.memory_space<vmem>> -> memref<1x128x128xf32, #tpu.memory_space<vmem>>
        %parallel_loop3A_327 = tpu.memref_squeeze %parallel_loop3A_326 : memref<1x128x128xf32, #tpu.memory_space<vmem>> -> memref<128x128xf32, #tpu.memory_space<vmem>>
        %parallel_loop3A_328 = arith.index_cast %parallel_loop3A_185 : i32 to index
        %parallel_loop3A_329 = arith.constant 96 : index
        %parallel_loop3A_330 = tpu.vector_load %parallel_loop3A_327[%parallel_loop3A_328, %parallel_loop3A_329] {strides = array<i32>} : memref<128x128xf32, #tpu.memory_space<vmem>>, vector<16xf32>,
        %parallel_loop3A_331 = arith.constant 0 : i32
        %parallel_loop3A_332 = arith.constant 0 : i32
        %parallel_loop3A_333 = tpu.memref_slice %arg9[%rem3A_89, %parallel_loop3A_331, %parallel_loop3A_332] : memref<3x128x128xf32, #tpu.memory_space<vmem>> -> memref<1x128x128xf32, #tpu.memory_space<vmem>>
        %parallel_loop3A_334 = tpu.memref_squeeze %parallel_loop3A_333 : memref<1x128x128xf32, #tpu.memory_space<vmem>> -> memref<128x128xf32, #tpu.memory_space<vmem>>
        %parallel_loop3A_335 = arith.index_cast %parallel_loop3A_185 : i32 to index
        %parallel_loop3A_336 = arith.constant 96 : index
        %parallel_loop3A_337 = tpu.vector_load %parallel_loop3A_334[%parallel_loop3A_335, %parallel_loop3A_336] {strides = array<i32>} : memref<128x128xf32, #tpu.memory_space<vmem>>, vector<16xf32>,
        %parallel_loop3A_338 = arith.mulf %parallel_loop3A_330, %parallel_loop3A_337 : vector<16xf32>
        %parallel_loop3A_339 = arith.constant 0 : i32
        %parallel_loop3A_340 = arith.constant 0 : i32
        %parallel_loop3A_341 = tpu.memref_slice %arg11[%rem3A_87, %parallel_loop3A_339, %parallel_loop3A_340] : memref<2x128x128xf32, #tpu.memory_space<vmem>> -> memref<1x128x128xf32, #tpu.memory_space<vmem>>
        %parallel_loop3A_342 = tpu.memref_squeeze %parallel_loop3A_341 : memref<1x128x128xf32, #tpu.memory_space<vmem>> -> memref<128x128xf32, #tpu.memory_space<vmem>>
        %parallel_loop3A_343 = arith.index_cast %parallel_loop3A_185 : i32 to index
        %parallel_loop3A_344 = arith.constant 96 : index
        %parallel_loop3A_345 = tpu.vector_load %parallel_loop3A_342[%parallel_loop3A_343, %parallel_loop3A_344] {strides = array<i32>} : memref<128x128xf32, #tpu.memory_space<vmem>>, vector<16xf32>,
        %parallel_loop3A_346 = arith.mulf %parallel_loop3A_338, %parallel_loop3A_345 : vector<16xf32>
        %parallel_loop3A_347 = arith.constant 0 : i32
        %parallel_loop3A_348 = arith.constant 0 : i32
        %parallel_loop3A_349 = tpu.memref_slice %arg10[%rem3A_87, %parallel_loop3A_347, %parallel_loop3A_348] : memref<2x128x128xf32, #tpu.memory_space<vmem>> -> memref<1x128x128xf32, #tpu.memory_space<vmem>>
        %parallel_loop3A_350 = tpu.memref_squeeze %parallel_loop3A_349 : memref<1x128x128xf32, #tpu.memory_space<vmem>> -> memref<128x128xf32, #tpu.memory_space<vmem>>
        %parallel_loop3A_351 = arith.index_cast %parallel_loop3A_185 : i32 to index
        %parallel_loop3A_352 = arith.constant 112 : index
        %parallel_loop3A_353 = tpu.vector_load %parallel_loop3A_350[%parallel_loop3A_351, %parallel_loop3A_352] {strides = array<i32>} : memref<128x128xf32, #tpu.memory_space<vmem>>, vector<16xf32>,
        %parallel_loop3A_354 = arith.constant 0 : i32
        %parallel_loop3A_355 = arith.constant 0 : i32
        %parallel_loop3A_356 = tpu.memref_slice %arg9[%rem3A_89, %parallel_loop3A_354, %parallel_loop3A_355] : memref<3x128x128xf32, #tpu.memory_space<vmem>> -> memref<1x128x128xf32, #tpu.memory_space<vmem>>
        %parallel_loop3A_357 = tpu.memref_squeeze %parallel_loop3A_356 : memref<1x128x128xf32, #tpu.memory_space<vmem>> -> memref<128x128xf32, #tpu.memory_space<vmem>>
        %parallel_loop3A_358 = arith.index_cast %parallel_loop3A_185 : i32 to index
        %parallel_loop3A_359 = arith.constant 112 : index
        %parallel_loop3A_360 = tpu.vector_load %parallel_loop3A_357[%parallel_loop3A_358, %parallel_loop3A_359] {strides = array<i32>} : memref<128x128xf32, #tpu.memory_space<vmem>>, vector<16xf32>,
        %parallel_loop3A_361 = arith.mulf %parallel_loop3A_353, %parallel_loop3A_360 : vector<16xf32>
        %parallel_loop3A_362 = arith.constant 0 : i32
        %parallel_loop3A_363 = arith.constant 0 : i32
        %parallel_loop3A_364 = tpu.memref_slice %arg11[%rem3A_87, %parallel_loop3A_362, %parallel_loop3A_363] : memref<2x128x128xf32, #tpu.memory_space<vmem>> -> memref<1x128x128xf32, #tpu.memory_space<vmem>>
        %parallel_loop3A_365 = tpu.memref_squeeze %parallel_loop3A_364 : memref<1x128x128xf32, #tpu.memory_space<vmem>> -> memref<128x128xf32, #tpu.memory_space<vmem>>
        %parallel_loop3A_366 = arith.index_cast %parallel_loop3A_185 : i32 to index
        %parallel_loop3A_367 = arith.constant 112 : index
        %parallel_loop3A_368 = tpu.vector_load %parallel_loop3A_365[%parallel_loop3A_366, %parallel_loop3A_367] {strides = array<i32>} : memref<128x128xf32, #tpu.memory_space<vmem>>, vector<16xf32>,
        %parallel_loop3A_369 = arith.mulf %parallel_loop3A_361, %parallel_loop3A_368 : vector<16xf32>
        %parallel_loop3A_370 = arith.addf %parallel_loop3A_208, %parallel_loop3A_231 : vector<16xf32>
        %parallel_loop3A_371 = arith.addf %parallel_loop3A_254, %parallel_loop3A_277 : vector<16xf32>
        %parallel_loop3A_372 = arith.addf %parallel_loop3A_300, %parallel_loop3A_323 : vector<16xf32>
        %parallel_loop3A_373 = arith.addf %parallel_loop3A_346, %parallel_loop3A_369 : vector<16xf32>
        %parallel_loop3A_374 = arith.addf %parallel_loop3A_370, %parallel_loop3A_371 : vector<16xf32>
        %parallel_loop3A_375 = arith.addf %parallel_loop3A_372, %parallel_loop3A_373 : vector<16xf32>
        %parallel_loop3A_376 = arith.addf %parallel_loop3A_374, %parallel_loop3A_375 : vector<16xf32>
        %parallel_loop3A_377 = arith.constant true
        %parallel_loop3A_378 = vector.broadcast %parallel_loop3A_377 : i1 to vector<16xi1>
        %parallel_loop3A_379 = tpu.scan <sum>, %parallel_loop3A_376 masked %parallel_loop3A_378 : vector<16xf32>, vector<16xi1> -> vector<16xf32>
        %parallel_loop3A_380 = arith.index_cast %parallel_loop3A_185 : i32 to index
        %parallel_loop3A_381 = tpu.vector_load %arg12[%parallel_loop3A_380] masked %eq3A_4 {strides = array<i32>} : memref<144xf32, #tpu.memory_space<vmem>>, vector<16xf32>, vector<16xi1>
        tpu.vector_store %arg12[%parallel_loop3A_380], %parallel_loop3A_379 masked %eq3A_4 {strides = array<i32>} : memref<144xf32, #tpu.memory_space<vmem>>, vector<16xf32>, vector<16xi1>
      } {sc.loop_unroll_factor = 2 : i64, sc.parallel_access}
      %get3A_146 = arith.constant 0 : index
      %get3A_147 = tpu.vector_load %arg12[%get3A_146] {strides = array<i32>} : memref<144xf32, #tpu.memory_space<vmem>>, vector<16xf32>,
      %mul3A_148 = arith.mulf %get3A_147, %get3A_79 : vector<16xf32>
      %swap3A = arith.constant 0 : index
      %swap3A_149 = tpu.vector_load %arg12[%swap3A] {strides = array<i32>} : memref<144xf32, #tpu.memory_space<vmem>>, vector<16xf32>,
      tpu.vector_store %arg12[%swap3A], %mul3A_148 {strides = array<i32>} : memref<144xf32, #tpu.memory_space<vmem>>, vector<16xf32>,
      %get3A_150 = arith.constant 16 : index
      %get3A_151 = tpu.vector_load %arg12[%get3A_150] {strides = array<i32>} : memref<144xf32, #tpu.memory_space<vmem>>, vector<16xf32>,
      %mul3A_152 = arith.mulf %get3A_151, %get3A_79 : vector<16xf32>
      %swap3A_153 = arith.constant 16 : index
      %swap3A_154 = tpu.vector_load %arg12[%swap3A_153] {strides = array<i32>} : memref<144xf32, #tpu.memory_space<vmem>>, vector<16xf32>,
      tpu.vector_store %arg12[%swap3A_153], %mul3A_152 {strides = array<i32>} : memref<144xf32, #tpu.memory_space<vmem>>, vector<16xf32>,
      %get3A_155 = arith.constant 32 : index
      %get3A_156 = tpu.vector_load %arg12[%get3A_155] {strides = array<i32>} : memref<144xf32, #tpu.memory_space<vmem>>, vector<16xf32>,
      %mul3A_157 = arith.mulf %get3A_156, %get3A_79 : vector<16xf32>
      %swap3A_158 = arith.constant 32 : index
      %swap3A_159 = tpu.vector_load %arg12[%swap3A_158] {strides = array<i32>} : memref<144xf32, #tpu.memory_space<vmem>>, vector<16xf32>,
      tpu.vector_store %arg12[%swap3A_158], %mul3A_157 {strides = array<i32>} : memref<144xf32, #tpu.memory_space<vmem>>, vector<16xf32>,
      %get3A_160 = arith.constant 48 : index
      %get3A_161 = tpu.vector_load %arg12[%get3A_160] {strides = array<i32>} : memref<144xf32, #tpu.memory_space<vmem>>, vector<16xf32>,
      %mul3A_162 = arith.mulf %get3A_161, %get3A_79 : vector<16xf32>
      %swap3A_163 = arith.constant 48 : index
      %swap3A_164 = tpu.vector_load %arg12[%swap3A_163] {strides = array<i32>} : memref<144xf32, #tpu.memory_space<vmem>>, vector<16xf32>,
      tpu.vector_store %arg12[%swap3A_163], %mul3A_162 {strides = array<i32>} : memref<144xf32, #tpu.memory_space<vmem>>, vector<16xf32>,
      %get3A_165 = arith.constant 64 : index
      %get3A_166 = tpu.vector_load %arg12[%get3A_165] {strides = array<i32>} : memref<144xf32, #tpu.memory_space<vmem>>, vector<16xf32>,
      %mul3A_167 = arith.mulf %get3A_166, %get3A_79 : vector<16xf32>
      %swap3A_168 = arith.constant 64 : index
      %swap3A_169 = tpu.vector_load %arg12[%swap3A_168] {strides = array<i32>} : memref<144xf32, #tpu.memory_space<vmem>>, vector<16xf32>,
      tpu.vector_store %arg12[%swap3A_168], %mul3A_167 {strides = array<i32>} : memref<144xf32, #tpu.memory_space<vmem>>, vector<16xf32>,
      %get3A_170 = arith.constant 80 : index
      %get3A_171 = tpu.vector_load %arg12[%get3A_170] {strides = array<i32>} : memref<144xf32, #tpu.memory_space<vmem>>, vector<16xf32>,
      %mul3A_172 = arith.mulf %get3A_171, %get3A_79 : vector<16xf32>
      %swap3A_173 = arith.constant 80 : index
      %swap3A_174 = tpu.vector_load %arg12[%swap3A_173] {strides = array<i32>} : memref<144xf32, #tpu.memory_space<vmem>>, vector<16xf32>,
      tpu.vector_store %arg12[%swap3A_173], %mul3A_172 {strides = array<i32>} : memref<144xf32, #tpu.memory_space<vmem>>, vector<16xf32>,
      %get3A_175 = arith.constant 96 : index
      %get3A_176 = tpu.vector_load %arg12[%get3A_175] {strides = array<i32>} : memref<144xf32, #tpu.memory_space<vmem>>, vector<16xf32>,
      %mul3A_177 = arith.mulf %get3A_176, %get3A_79 : vector<16xf32>
      %swap3A_178 = arith.constant 96 : index
      %swap3A_179 = tpu.vector_load %arg12[%swap3A_178] {strides = array<i32>} : memref<144xf32, #tpu.memory_space<vmem>>, vector<16xf32>,
      tpu.vector_store %arg12[%swap3A_178], %mul3A_177 {strides = array<i32>} : memref<144xf32, #tpu.memory_space<vmem>>, vector<16xf32>,
      %get3A_180 = arith.constant 112 : index
      %get3A_181 = tpu.vector_load %arg12[%get3A_180] {strides = array<i32>} : memref<144xf32, #tpu.memory_space<vmem>>, vector<16xf32>,
      %mul3A_182 = arith.mulf %get3A_181, %get3A_79 : vector<16xf32>
      %swap3A_183 = arith.constant 112 : index
      %swap3A_184 = tpu.vector_load %arg12[%swap3A_183] {strides = array<i32>} : memref<144xf32, #tpu.memory_space<vmem>>, vector<16xf32>,
      tpu.vector_store %arg12[%swap3A_183], %mul3A_182 {strides = array<i32>} : memref<144xf32, #tpu.memory_space<vmem>>, vector<16xf32>,
      "tpu.region"() ({
        %run_scoped3A = tpu.sem_alloc : memref<!tpu.dma_semaphore, #tpu.memory_space<semaphore_mem>>
        %dma_start3A_185 = arith.constant 0 : i32
        %dma_start3A_186 = tpu.memref_slice %arg12[%dma_start3A_185] : memref<144xf32, #tpu.memory_space<vmem>> -> memref<128xf32, #tpu.memory_space<vmem>>
        %dma_start3A_187 = tpu.memref_slice %arg7[%add3A_92] : memref<16384xf32, #tpu.memory_space<hbm>> -> memref<128xf32, #tpu.memory_space<hbm>>
        %dma_start3A_188 = tpu.memref_slice %arg7[%add3A_92] : memref<16384xf32, #tpu.memory_space<hbm>> -> memref<128xf32, #tpu.memory_space<hbm>>
        %dma_start3A_189 = arith.constant 0 : i32
        %dma_start3A_190 = tpu.memref_slice %arg12[%dma_start3A_189] : memref<144xf32, #tpu.memory_space<vmem>> -> memref<128xf32, #tpu.memory_space<vmem>>
        tpu.enqueue_dma source(%dma_start3A_190 : memref<128xf32, #tpu.memory_space<vmem>>) target(%dma_start3A_188 : memref<128xf32, #tpu.memory_space<hbm>>) target_semaphore(%run_scoped3A : memref<!tpu.dma_semaphore, #tpu.memory_space<semaphore_mem>>)
        %dma_wait3A_191 = arith.constant 0 : i32
        %dma_wait3A_192 = tpu.memref_slice %arg12[%dma_wait3A_191] : memref<144xf32, #tpu.memory_space<vmem>> -> memref<128xf32, #tpu.memory_space<vmem>>
        %dma_wait3A_193 = tpu.memref_slice %arg7[%add3A_92] : memref<16384xf32, #tpu.memory_space<hbm>> -> memref<128xf32, #tpu.memory_space<hbm>>
        %dma_wait3A_194 = tpu.memref_slice %arg7[%add3A_92] : memref<16384xf32, #tpu.memory_space<hbm>> -> memref<128xf32, #tpu.memory_space<hbm>>
        %dma_wait3A_195 = arith.constant 0 : i32
        %dma_wait3A_196 = tpu.memref_slice %arg12[%dma_wait3A_195] : memref<144xf32, #tpu.memory_space<vmem>> -> memref<128xf32, #tpu.memory_space<vmem>>
        tpu.wait_dma2 semaphore(%run_scoped3A : memref<!tpu.dma_semaphore, #tpu.memory_space<semaphore_mem>>) src(%dma_wait3A_196 : memref<128xf32, #tpu.memory_space<vmem>>) dst(%dma_wait3A_194 : memref<128xf32, #tpu.memory_space<hbm>>)
        tpu.yield
      }) : () -> ()
    }
    %scan3A_84 = arith.constant 4 : i32
    return
  }
}

</mosaic_0001>

<sc_bundles>
// kernel: kernel.3.cloned.1.call-start
scs
__scs_entry_jumppad:
0x0: {  	(pc) =	sbr.rel $0x88, $3  }
0x1: {  	(tag) =	ssettag $0x0;
	lr =	simm.s32 $0x1  }
0x2: {  	[smem:$0x3F9C] =	sst lr;
	_ =	strace $0xD0000000  }
0x3: {  	_ = 	snop  }
0x4: {  	_ = 	snop  }
0x5: {  	_ = 	snop  }
0x6: {  	_ = 	snop  }
0x7: {  	_ = 	snop  }
__scs_overlays_trampoline_lowered:
0x8: {  	[smem:$0x3FAB] =	sst s0  }
0x9: {  	[smem:$0x3FAC] =	sst s1  }
0xa: {  	[smem:$0x3FAD] =	sst s2  }
0xb: {  	[smem:$0x3FAE] =	sst s3  }
0xc: {  	[smem:$0x3FAF] =	sst s4  }
0xd: {  	[smem:$0x3FB0] =	sst s5  }
0xe: {  	[smem:$0x3FB1] =	sst s6  }
0xf: {  	[smem:$0x3FB2] =	sst s7  }
0x10: {  	[smem:$0x3FB3] =	sst s8  }
0x11: {  	[smem:$0x3FB4] =	sst s9;
	s0 =	simm.s32 @!p0 $0x0  }
0x12: {  	s1 =	sld [smem:$0x3F9A];
	s0 =	simm.s32 @p0 $0x1  }
0x13: {  	[smem:$0x3FB5] =	sst s0;
	s0 =	simm.s32 @!p1 $0x0  }
0x14: {  	s2 =	sld [smem:$0x3F99];
	s0 =	simm.s32 @p1 $0x1  }
0x15: {  	[smem:$0x3FB6] =	sst s0;
	s0 =	simm.s32 @!p2 $0x0  }
0x16: {  	s3 =	sld [smem:$0x3FDB];
	s0 =	simm.s32 @p2 $0x1  }
0x17: {  	s4 =	simm.s32 $0x1BF5;
	[smem:$0x3FB8] =	sst s0  }
0x18: {  	s0 =	sld [smem:$0x3F9B];
	_ =	swait.ge [sflag:s4], $0x0  }
0x19: {  	s7 =	sld [smem:$0x3F9C]  }
0x1a: {  	s8 =	sadd.s32 $0xFFFFE003, lr  }
0x1b: {  	s9 =	sadd.s32 $0xFFFFFEF7, lr;
	s5 =	simm.s32 $0xFFFFFFFF;
	p2 =	slt.u32 s8, $0xFFFFF086  }
0x1c: {  	p1 =	slt.u32 s9, $0xF7A;
	s5 =	simm.s32 @!p2 $0x0  }
0x1d: {  	s5 =	simm.s32 @p1 $0x1;
	p0 =	seq.s32 s7, s2  }
0x1e: {  	s7 =	smul.u32 @!p0 $0xF7A, s2;
	p2 =	seq.s32 @!p0 s5, $0x0  }
0x1f: {  	s9 =	smul.u32 $0xF7A, s1;
	s8 =	simm.s32 @!p0 $0x1BF5;
	p2 =	por !p2, p0  }
0x20: {  	[sflag:s8] =	ssyncset.s32 @!p0 $0xFFFFF086;
	s6 =	sadd.s32 @!p0 s3, s7;
	s7 =	simm.s32 @!p0 $0x108  }
0x21: {  	s3 =	sadd.s32 s3, s9;
	s6 =	sadd.s32 @!p0 $0x88, s6;
	s7 =	simm.s32 @p2 $0x1082  }
0x22: {  	[simem:s7], [sflag:s8] =	dma.local @!p0 [hbm:s6], $0xF7A  }
0x23: {  	s9 =	sor.u32 $0xD0000000, s2;
	s6 =	simm.s32 $0x108;
	_ =	swait.ge @!p0 [sflag:s8], $0x0  }
0x24: {  	s3 =	sadd.s32 $0x88, s3;
	s6 =	simm.s32 @!p1 $0x1082;
	[sflag:s4] =	ssyncset.s32 $0xFFFFF086  }
0x25: {  	[simem:s6], [sflag:s4] =	dma.local [hbm:s3], $0xF7A  }
0x26: {  	[smem:$0x3F9C] =	sst s1;
	(tag) =	ssettag s2;
	_ =	strace s9  }
0x27: {  	s1 =	sld [smem:$0x3FAC]  }
0x28: {  	s2 =	sld [smem:$0x3FAD]  }
0x29: {  	s4 =	sld [smem:$0x3FAF]  }
0x2a: {  	p0 =	seq.s32 s5, $0x0;
	s5 =	sld [smem:$0x3FB0]  }
0x2b: {  	s6 =	sld [smem:$0x3FB1]  }
0x2c: {  	s7 =	sld [smem:$0x3FB2]  }
0x2d: {  	s3 =	simm.s32 $0x108;
	s8 =	sld [smem:$0x3FB3]  }
0x2e: {  	s3 =	simm.s32 @!p0 $0x1082;
	s9 =	sld [smem:$0x3FB4]  }
0x2f: {  	lr =	sadd.s32 s0, s3;
	s0 =	sld [smem:$0x3FAB]  }
0x30: {  	s3 =	sld [smem:$0x3FAE]  }
0x31: {  	[smem:$0x3FB7] =	sst s10  }
0x32: {  	s10 =	sld [smem:$0x3FB5];
	_ =	sdelay $0x3  }
0x33: {  	p0 =	seq.s32 s10, $0x1;
	s10 =	sld [smem:$0x3FB7];
	_ =	sdelay $0x3  }
0x34: {  	[smem:$0x3FB7] =	sst s10  }
0x35: {  	s10 =	sld [smem:$0x3FB6];
	_ =	sdelay $0x3  }
0x36: {  	p1 =	seq.s32 s10, $0x1;
	s10 =	sld [smem:$0x3FB7];
	_ =	sdelay $0x3  }
0x37: {  	[smem:$0x3FB7] =	sst s10  }
0x38: {  	s10 =	sld [smem:$0x3FB8]  }
0x39: {  	_ = 	snop;
	(pc) =	sbr.ind lr, $3  }
0x3a: {  	_ = 	snop  }
0x3b: {  	_ = 	snop  }
0x3c: {  	p2 =	seq.s32 s10, $0x1;
	s10 =	sld [smem:$0x3FB7]  }
0x3d: {  	_ =	shalt  }
0x3e: {  	_ =	shalt  }
0x3f: {  	_ =	shalt  }
0x40: {  	_ =	shalt  }
0x41: {  	_ =	shalt  }
0x42: {  	_ =	shalt  }
0x43: {  	_ =	shalt  }
0x44: {  	_ =	shalt  }
0x45: {  	_ =	shalt  }
0x46: {  	_ =	shalt  }
0x47: {  	_ =	shalt  }
0x48: {  	_ =	shalt  }
0x49: {  	_ =	shalt  }
0x4a: {  	_ =	shalt  }
0x4b: {  	_ =	shalt  }
0x4c: {  	_ =	shalt  }
0x4d: {  	_ =	shalt  }
0x4e: {  	_ =	shalt  }
0x4f: {  	_ =	shalt  }
0x50: {  	_ =	shalt  }
0x51: {  	_ =	shalt  }
0x52: {  	_ =	shalt  }
0x53: {  	_ =	shalt  }
0x54: {  	_ =	shalt  }
0x55: {  	_ =	shalt  }
0x56: {  	_ =	shalt  }
0x57: {  	_ =	shalt  }
0x58: {  	_ =	shalt  }
0x59: {  	_ =	shalt  }
0x5a: {  	_ =	shalt  }
0x5b: {  	_ =	shalt  }
0x5c: {  	_ =	shalt  }
0x5d: {  	_ =	shalt  }
0x5e: {  	_ =	shalt  }
0x5f: {  	_ =	shalt  }
0x60: {  	_ =	shalt  }
0x61: {  	_ =	shalt  }
0x62: {  	_ =	shalt  }
0x63: {  	_ =	shalt  }
0x64: {  	_ =	shalt  }
0x65: {  	_ =	shalt  }
0x66: {  	_ =	shalt  }
0x67: {  	_ =	shalt  }
0x68: {  	_ =	shalt  }
0x69: {  	_ =	shalt  }
0x6a: {  	_ =	shalt  }
0x6b: {  	_ =	shalt  }
0x6c: {  	_ =	shalt  }
0x6d: {  	_ =	shalt  }
0x6e: {  	_ =	shalt  }
0x6f: {  	_ =	shalt  }
0x70: {  	_ =	shalt  }
0x71: {  	_ =	shalt  }
0x72: {  	_ =	shalt  }
0x73: {  	_ =	shalt  }
0x74: {  	_ =	shalt  }
0x75: {  	_ =	shalt  }
0x76: {  	_ =	shalt  }
0x77: {  	_ =	shalt  }
0x78: {  	_ =	shalt  }
0x79: {  	_ =	shalt  }
0x7a: {  	_ =	shalt  }
0x7b: {  	_ =	shalt  }
0x7c: {  	_ =	shalt  }
0x7d: {  	_ =	shalt  }
0x7e: {  	_ =	shalt  }
0x7f: {  	_ =	shalt  }
0x80: {  	_ =	shalt  }
0x81: {  	_ =	shalt  }
0x82: {  	_ =	shalt  }
0x83: {  	_ =	shalt  }
0x84: {  	_ =	shalt  }
0x85: {  	_ =	shalt  }
0x86: {  	_ =	shalt  }
0x87: {  	_ =	shalt  }
.Lfunc_end0:
.L_simem_size_0:
called_computation_lowered:
.L_overlay_start_0:
0x88: {  	s2 =	sld [smem:$0x3FD9]  }
0x89: {  	s3 =	sld [smem:$0x3FFE];
	_ =	sdelay $0x1  }
0x8a: {  	s1 =	srdreg.scid  }
0x8b: {  	s0 =	sand.u32 $0x1, s1  }
0x8c: {  	s17 =	sshll.u32 s0, $0xA;
	s2 =	sadd.s32 s3, s2  }
0x8d: {  	s2 =	sadd.s32 s2, s17  }
0x8e: {  	[smem:$0x3FC3] =	sst s2  }
0x8f: {  	_ = 	snop  }
0x90: {  	s2 =	sld [smem:$0x3FC9]  }
0x91: {  	s18 =	sld [smem:$0x3FC8]  }
0x92: {  	s4 =	sld [smem:$0x3FC7]  }
0x93: {  	s5 =	sld [smem:$0x3FC6]  }
0x94: {  	s6 =	sld [smem:$0x3FD0];
	(tm) =	ssettm $0x1  }
0x95: {  	s7 =	sld [smem:$0x3FFB];
	_ =	sdelay $0x3  }
0x96: {  	_ =	strace s7  }
0x97: {  	s7 =	sld [smem:$0x3FFC];
	_ =	sdelay $0x3  }
0x98: {  	_ =	strace s7  }
0x99: {  	s7 =	sld [smem:$0x3FFD];
	_ =	sdelay $0x3  }
0x9a: {  	_ =	strace s7  }
0x9b: {  	_ =	strace $0x8FFFFFFF  }
0x9c: {  	s19 =	sld [smem:$0x3FDB];
	_ =	sdelay $0x1  }
0x9d: {  	s8 =	simm.s32 $_scs_section_size  }
0x9e: {  	s9 =	simm.s32 $_size__tile_overlayer_lowered;
	s10 =	simm.s32 $_tile_overlayer_lowered  }
0x9f: {  	s22 =	simm.s32 $0x1BFF;
	s21 =	sshll.u32 s10, $0x1;
	s7 =	sadd.s32 s8, s19  }
0xa0: {  	s11 =	simm.s32 $0x0;
	s20 =	sshll.u32 s9, $0x1;
	s9 =	sadd.s32 s21, s7  }
0xa1: {  	[timem:s11], [sflag:s22] =	dma.local [hbm:s9], s20  }
0xa2: {  	_ =	swait.ge [sflag:s22], s20  }
0xa3: {  	s8 =	ssub.s32 $0x0, s20;
	[sflag:s22] =	ssyncset.done $0x0  }
0xa4: {  	[sflag:s22] =	ssyncadd.s32 s8;
	_ =	sdelay $0x1  }
0xa5: {  	s23 =	simm.s32 $0x1B8B  }
0xa6: {  	_ =	swait.ge [sflag:s23], $0x1  }
0xa7: {  	[sflag:s23] =	ssyncset.done $0x0  }
0xa8: {  	s25 =	simm.s32 $0x1B8E;
	s24 =	sld [smem:$0x3FFE];
	[sflag:s23] =	ssyncadd.s32 $0xFFFFFFFF  }
0xa9: {  	s26 =	simm.s32 $execute0_lowered;
	[smem:$0x3FD2] =	sst s25  }
0xaa: {  	s9 =	sshll.u32 s26, $0x1;
	_ =	strace $0x80000046;
	[dreg:$0x1] =	wrdreg $0xFFFFFFFF  }
0xab: {  	s28 =	simm.s32 $_size_execute0_lowered;
	s7 =	sadd.s32 s7, s9;
	[dreg:$0x0] =	wrdreg $0x0  }
0xac: {  	s9 =	sshll.u32 s28, $0x1;
	[dreg:$0x2] =	wrdreg s7  }
0xad: {  	[dreg:$0x3] =	wrdreg s9  }
0xae: {  	[dreg:$0x4] =	wrdreg $0xC0  }
0xaf: {  	_ =	task [dreg:s11], $0x5FFFF  }
0xb0: {  	[dreg:$0x1] =	wrdreg $0xFFFFFFFF  }
0xb1: {  	[dreg:$0x0] =	wrdreg $0x60  }
0xb2: {  	[dreg:$0x2] =	wrdreg s2  }
0xb3: {  	[dreg:$0x3] =	wrdreg s18  }
0xb4: {  	[dreg:$0x4] =	wrdreg s4  }
0xb5: {  	[dreg:$0x5] =	wrdreg s5  }
0xb6: {  	[dreg:$0x6] =	wrdreg s24  }
0xb7: {  	[dreg:$0x7] =	wrdreg s6  }
0xb8: {  	[dreg:$0x8] =	wrdreg $0x9  }
0xb9: {  	_ =	task.clear_ibuf [dreg:s11], $0x9FFFF;
	_ =	strace $0x90000046  }
0xba: {  	s29 =	simm.s32 $0x9;
	_ =	strace $0x80000048  }
0xbb: {  	_ =	swait.ge [sflag:s29], $0x1  }
0xbc: {  	[sflag:s29] =	ssyncadd.s32 $0xFFFFFFFF  }
0xbd: {  	_ =	strace $0x90000048  }
0xbe: {  	_ =	sfence  }
0xbf: {  	s30 =	sld [smem:$0x0];
	_ =	sdelay $0x2  }
0xc0: {  	s31 =	sshll.u32 s1, $0xD;
	s1 =	sshrl.u32 s1, $0x2  }
0xc1: {  	s3 =	sand.u32 $0x4000, s31;
	s1 =	sadd.s32 s1, s30  }
0xc2: {  	s0 =	sor.u32 s3, s0;
	s1 =	sshll.u32 s1, $0x11  }
0xc3: {  	s0 =	sor.u32 s1, s0  }
0xc4: {  	s0 =	sadd.s32 $0x8F2B, s0  }
0xc5: {  	[sflag:s0] =	ssyncadd.remote.s32 $0x1  }
0xc6: {  	_ =	sfence.sel $0xFFFF  }
0xc7: {  	[dreg:$0x0] =	wrdreg $0xFFFFFFFF;
	(pc) =	sbr.abs _section_cstart, $3  }
0xc8: {  	[dreg:$0x1] =	wrdreg $0xFFFFFFFF  }
0xc9: {  	_ =	task.clear_ibuf [dreg:s11], $0x2FFFF;
	_ =	strace $0x9FFFFFFF  }
0xca: {  	(tm) =	ssettm $0x7FFFFFFF  }
0xcb: {  	_ =	shalt  }
tec
execute0_lowered:
.L_overlay_start_1:
0x0: {  	(tag) =	ssettag $0x1  }
0x1: {  	s1 =	rddreg [dreg:$0x0]  }
0x2: {  	s9 =	rddreg [dreg:$0x1]  }
0x3: {  	s2 =	rddreg [dreg:$0x2]  }
0x4: {  	s3 =	rddreg [dreg:$0x3]  }
0x5: {  	s6 =	rddreg [dreg:$0x4]  }
0x6: {  	s11 =	rddreg [dreg:$0x5];
	s5 =	simm.s32 $0x0;
	s7 =	srdreg.scid  }
0x7: {  	s4 =	stileid.u32;
	s15 =	simm.s32 $0x1C300;
	s16 =	simm.s32 $0x6  }
0x8: {  	s17 =	simm.s32 $0x80;
	s18 =	simm.s32 $0x200;
	s19 =	simm.s32 $0x4200  }
0x9: {  	s20 =	simm.s32 $0x1C200;
	s21 =	simm.s32 $0x7;
	s22 =	simm.s32 $0x0  }
0xa: {  	[smem:$0x7FF] =	sst s5;
	s8 =	sand.u32 $0x1, s7;
	s10 =	sshll.u32 s4, $0x1  }
0xb: {  	s6 =	sadd.s32 $0x400, s6;
	s14 =	sshll.u32 s4, $0x7;
	s7 =	ssub.s32 $0x2, s8  }
0xc: {  	_ =	strace $0x80000047;
	s31 =	sshll.u32 s8, $0x6;
	s12 =	sshrl.u32 s7, $0x1  }
0xd: {  	s13 =	sor.u32 s8, s10;
	s10 =	sadd.s32 s9, s31;
	s12 =	ssub.s32 s7, s12  }
0xe: {  	s7 =	sshll.u32 s13, $0xD;
	s10 =	sadd.s32 s14, s10;
	s13 =	sshll.u32 s13, $0x6  }
0xf: {  	s14 =	simm.s32 $0x14200;
	s8 =	sadd.s32 s1, s7;
	s9 =	sadd.s32 s2, s7  }
0x10: {  	vm0 =	vcmask $0x3F3C;
	s11 =	sadd.s32 s11, s13;
	s12 =	smax.u32 s12, $0x1;
	s13 =	simm.s32 $0xC200  }
.LBB2_1:
0x11: {  	[tilespmem:s13], [sflag:$0x4] =	stream.linear.gather [hbm4b:s8+s5], $0x4000, $0x38;
	[tilespmem:$0x1C380] =	vst v63  }
0x12: {  	_ = 	snop  }
0x13: {  	[tilespmem:s14], [sflag:$0x4] =	stream.linear.gather [hbm4b:s9+s5], $0x4000, $0x38;
	[tilespmem:$0x1C380] =	vst v63  }
0x14: {  	_ = 	snop  }
0x15: {  	[tilespmem:s5], [sflag:$0x6] =	stream.linear.gather [hbm4b:s10+s5], $0x200, $0x38;
	[tilespmem:$0x1C380] =	vst v63  }
0x16: {  	_ = 	snop  }
0x17: {  	[tilespmem:s15], [sflag:$0x6] =	stream.linear.gather [hbm4b:s6+s5], $0x80, $0x38;
	[tilespmem:$0x1C380] =	vst v63  }
0x18: {  	_ =	swait.ge [sflag:s16], $0x200  }
0x19: {  	[sflag:s16] =	ssyncset.done $0x0  }
0x1a: {  	[sflag:s16] =	ssyncadd.s32 $0xFFFFFE00  }
0x1b: {  	[tilespmem:s18], [sflag:$0x1] =	stream.indirect.gather [hbm4b:s3+s17], $0x80, s5, s17, $0xb8;
	[tilespmem:$0x1C380] =	vst v63  }
0x1c: {  	_ = 	snop  }
0x1d: {  	[tilespmem:s19], [sflag:$0x2] =	stream.indirect.gather [hbm4b:s3+s17], $0x80, s17, s17, $0xb8;
	[tilespmem:$0x1C380] =	vst v63  }
0x1e: {  	_ =	swait.ge [sflag:s16], $0x80  }
0x1f: {  	[sflag:s16] =	ssyncset.done $0x0  }
0x20: {  	[sflag:s16] =	ssyncadd.s32 $0xFFFFFF80  }
0x21: {  	s23 =	simm.s32 $0x0;
	v0 =	vld [tilespmem:$0x1C300]  }
.LBB2_2:
0x22: {  	p0 =	seq.s32 s23, $0x3;
	s25 =	smov.u32 s23  }
0x23: {  	s25 =	simm.s32 @p0 $0x0  }
0x24: {  	s24 =	sadd.s32 $0x1, s25  }
0x25: {  	_ =	swait.ge [sflag:s24], $0x4000  }
0x26: {  	s26 =	sand.u32 $0x1, s23;
	[sflag:s24] =	ssyncset.done $0x0  }
0x27: {  	s31 =	sor.u32 $0x4, s26;
	[sflag:s24] =	ssyncadd.s32 $0xFFFFC000  }
0x28: {  	p1 =	sgt.u32 s23, $0x1;
	_ =	swait.ge [sflag:s31], $0x4000  }
.Ltmp0:
0x29: {  	[sflag:s31] =	ssyncset.done $0x0;
	(pc) =	sbr.rel @p1 .LBB2_4-.Ltmp0, $4  }
0x2a: {  	[sflag:s31] =	ssyncadd.s32 $0xFFFFC000  }
0x2b: {  	_ =	swait.ge [sflag:s31], $0x4000  }
0x2c: {  	[sflag:s31] =	ssyncset.done $0x0  }
0x2d: {  	[sflag:s31] =	ssyncadd.s32 $0xFFFFC000  }
0x2e: {  	s24 =	sadd.s32 $0xFFFFFFFF, s23;
	p0 =	seq.s32 s23, $0x0  }
0x2f: {  	s24 =	simm.s32 @p0 $0x2  }
.Ltmp1:
0x30: {  	s29 =	sshll.u32 s23, $0x7;
	s28 =	sshll.u32 s24, $0xE;
	(pc) =	sbr.rel .LBB2_5-.Ltmp1, $4  }
0x31: {  	s29 =	sand.u32 $0x3FFFFF80, s29;
	s28 =	sand.u32 $0x3FFFC000, s28  }
0x32: {  	s29 =	sadd.s32 $0x100, s29;
	s24 =	sadd.s32 $0x1, s24;
	s28 =	sor.u32 $0x200, s28  }
0x33: {  	[tilespmem:s28], [sflag:s24] =	stream.indirect.gather [hbm4b:s3+s17], $0x80, s29, s17, $0xb8;
	[tilespmem:$0x1C380] =	vst v63  }
0x34: {  	s28 =	sadd.s32 $0x1, s23  }
.LBB2_4:
.Ltmp2:
0x35: {  	(pc) =	sbr.rel @p0 .LBB2_6-.Ltmp2, $2  }
0x36: {  	_ =	sdelay $0x2  }
0x37: {  	s28 =	simm.s32 $0x3;
	s24 =	simm.s32 $0x4  }
.LBB2_5:
0x38: {  	s24 =	sand.u32 $0x1, s28;
	s29 =	sshll.u32 s28, $0xB  }
0x39: {  	s29 =	sadd.s32 s7, s29;
	s30 =	sshll.u32 s24, $0xE  }
0x3a: {  	s24 =	sor.u32 $0x4, s24;
	s31 =	sadd.s32 $0xC200, s30;
	s0 =	sadd.s32 s1, s29  }
0x3b: {  	[tilespmem:s31], [sflag:s24] =	stream.linear.gather [hbm4b:s0+s5], $0x4000, $0x38;
	[tilespmem:$0x1C380] =	vst v63  }
0x3c: {  	s29 =	sadd.s32 s2, s29;
	s31 =	sadd.s32 $0x14200, s30  }
0x3d: {  	[tilespmem:s31], [sflag:s24] =	stream.linear.gather [hbm4b:s29+s5], $0x4000, $0x38;
	[tilespmem:$0x1C380] =	vst v63  }
0x3e: {  	s24 =	smov.u32 s28  }
.LBB2_6:
0x3f: {  	s0 =	sshll.u32 s26, $0xE  }
0x40: {  	s30 =	sadd.s32 $0x14280, s0  }
0x41: {  	v1 =	vld [tilespmem:s30+$0x0]  }
0x42: {  	v2 =	vld [tilespmem:s30+$0x10]  }
0x43: {  	s25 =	sshll.u32 s25, $0xE;
	v3 =	vld [tilespmem:s30+$0x20]  }
0x44: {  	s31 =	sand.u32 $0x3FFFC000, s25;
	s25 =	sadd.s32 $0xC280, s0;
	v4 =	vld [tilespmem:s30+$0x30]  }
0x45: {  	v5 =	vld [tilespmem:s25+$0x0]  }
0x46: {  	v7 =	vld [tilespmem:s25+$0x10]  }
0x47: {  	v9 =	vld [tilespmem:s25+$0x20]  }
0x48: {  	v11 =	vld [tilespmem:s25+$0x30]  }
0x49: {  	v13 =	vld [tilespmem:s25+$0x40]  }
0x4a: {  	v15 =	vld [tilespmem:s25+$0x50]  }
0x4b: {  	v17 =	vld [tilespmem:s25+$0x60]  }
0x4c: {  	s26 =	sor.u32 $0x280, s31;
	v19 =	vld [tilespmem:s25+$0x70]  }
0x4d: {  	v6 =	vld [tilespmem:s26+$0x0]  }
0x4e: {  	v8 =	vld [tilespmem:s26+$0x10]  }
0x4f: {  	v10 =	vld [tilespmem:s26+$0x20]  }
0x50: {  	v12 =	vld [tilespmem:s26+$0x30]  }
0x51: {  	v14 =	vld [tilespmem:s26+$0x40]  }
0x52: {  	v16 =	vld [tilespmem:s26+$0x50]  }
0x53: {  	v18 =	vld [tilespmem:s26+$0x60]  }
0x54: {  	v20 =	vld [tilespmem:s26+$0x70]  }
0x55: {  	v21 =	vld [tilespmem:s30+$0x40]  }
0x56: {  	v5 =	vmul.f32 v6, v5;
	v6 =	vmul.f32 v8, v7;
	v7 =	vld [tilespmem:s30+$0x50]  }
0x57: {  	v8 =	vmul.f32 v10, v9;
	v9 =	vmul.f32 v12, v11;
	v10 =	vld [tilespmem:s30+$0x60]  }
0x58: {  	v11 =	vmul.f32 v14, v13;
	v12 =	vmul.f32 v16, v15;
	v13 =	vld [tilespmem:s30+$0x70]  }
0x59: {  	v58 =	vld [tilespmem:s25+$0xFFFFFF90];
	v15 =	vmul.f32 v18, v17;
	v57 =	vmul.f32 v20, v19  }
0x5a: {  	v59 =	vld [tilespmem:s25+$0xFFFFFFF0];
	v1 =	vmul.f32 v1, v5;
	v2 =	vmul.f32 v2, v6  }
0x5b: {  	v61 =	vld [tilespmem:s30+$0xFFFFFF80];
	v3 =	vmul.f32 v3, v8;
	v4 =	vmul.f32 v4, v9  }
0x5c: {  	v62 =	vld [tilespmem:s30+$0xFFFFFF90];
	v8 =	vmul.f32 v21, v11;
	v7 =	vmul.f32 v7, v12  }
0x5d: {  	v14 =	vld [tilespmem:s26+$0xFFFFFF80];
	v10 =	vmul.f32 v10, v15;
	v11 =	vmul.f32 v13, v57  }
0x5e: {  	v5 =	vld [tilespmem:s26+$0xFFFFFF90];
	v1 =	vadd.f32 v2, v1;
	v2 =	vadd.f32 v4, v3  }
0x5f: {  	v6 =	vld [tilespmem:s25+$0xFFFFFFA0];
	v4 =	vadd.f32 v7, v8;
	v7 =	vadd.f32 v11, v10  }
0x60: {  	v9 =	vld [tilespmem:s26+$0xFFFFFFA0]  }
0x61: {  	v3 =	vld [tilespmem:s26+$0xFFFFFFB0];
	v1 =	vadd.f32 v2, v1;
	v2 =	vadd.f32 v7, v4  }
0x62: {  	v12 =	vld [tilespmem:s25+$0xFFFFFFB0]  }
0x63: {  	v13 =	vld [tilespmem:s25+$0xFFFFFFE0];
	v1 =	vadd.f32 v2, v1  }
0x64: {  	v15 =	vld [tilespmem:s26+$0xFFFFFFE0]  }
0x65: {  	v8 =	vld [tilespmem:s25+$0xFFFFFFC0];
	(xrf2) =	vadd.scan.msk.f32 $0xffff, v1  }
0x66: {  	v10 =	vld [tilespmem:s26+$0xFFFFFFC0]  }
0x67: {  	v11 =	vld [tilespmem:s26+$0xFFFFFFD0]  }
0x68: {  	v7 =	vld [tilespmem:s25+$0xFFFFFF80]  }
0x69: {  	v4 =	vld [tilespmem:s25+$0xFFFFFFD0]  }
0x6a: {  	v63 =	vld [tilespmem:s30+$0xFFFFFFA0]  }
0x6b: {  	v60 =	vld [tilespmem:s26+$0xFFFFFFF0];
	v17 =	vmul.f32 v5, v58  }
0x6c: {  	v22 =	vmul.f32 v9, v6;
	v6 =	vld [tilespmem:s30+$0xFFFFFFB0];
	v2 =	vmul.f32 v10, v8  }
0x6d: {  	v1 =	vmul.f32 v3, v12;
	v9 =	vmul.f32 v14, v7;
	v7 =	vld [tilespmem:s30+$0xFFFFFFC0]  }
0x6e: {  	v8 =	vld [tilespmem:s30+$0xFFFFFFD0];
	v3 =	vmul.f32 v11, v4;
	v4 =	vmul.f32 v15, v13  }
0x6f: {  	s28 =	simm.s32 $0x1C201;
	v13 =	vmul.f32 v62, v17;
	v10 =	vmul.f32 v61, v9;
	v9 =	vld [tilespmem:s30+$0xFFFFFFE0];
	v14, _, _ =	vpop (xrf2)  }
0x70: {  	s29 =	simm.s32 $0x0;
	v5 =	vmul.f32 v60, v59;
	v12 =	vmul.f32 v63, v22;
	v11 =	vld [tilespmem:s30+$0xFFFFFFF0];
	s30 =	sadd.s32 $0x100, s30;
	[tilespmem:s28+$0x0] =	vst.msk vm0, v14  }
.LBB2_7:
0x71: {  	v14 =	vld [tilespmem:s30+$0x0];
	v1 =	vmul.f32 v6, v1;
	v6 =	vadd.f32 v13, v10  }
0x72: {  	v10 =	vld [tilespmem:s30+$0x10];
	v2 =	vmul.f32 v7, v2  }
0x73: {  	v7 =	vld [tilespmem:s30+$0x20];
	v3 =	vmul.f32 v8, v3;
	v1 =	vadd.f32 v1, v12  }
0x74: {  	s25 =	sadd.s32 $0x100, s25;
	v8 =	vld [tilespmem:s30+$0x30];
	v4 =	vmul.f32 v9, v4  }
0x75: {  	s26 =	sadd.s32 $0x100, s26;
	v9 =	vld [tilespmem:s25+$0x0];
	v5 =	vmul.f32 v11, v5;
	v2 =	vadd.f32 v3, v2;
	v1 =	vadd.f32 v1, v6  }
0x76: {  	v3 =	vld [tilespmem:s26+$0x0]  }
0x77: {  	v6 =	vld [tilespmem:s25+$0x10];
	v4 =	vadd.f32 v5, v4  }
0x78: {  	v5 =	vld [tilespmem:s26+$0x10]  }
0x79: {  	v11 =	vld [tilespmem:s25+$0x20];
	v2 =	vadd.f32 v4, v2  }
0x7a: {  	v4 =	vld [tilespmem:s26+$0x20]  }
0x7b: {  	v12 =	vld [tilespmem:s25+$0x30];
	v1 =	vadd.f32 v2, v1  }
0x7c: {  	v2 =	vld [tilespmem:s26+$0x30]  }
0x7d: {  	v13 =	vld [tilespmem:s25+$0x40];
	(xrf2) =	vadd.scan.msk.f32 $0xffff, v1  }
0x7e: {  	v1 =	vld [tilespmem:s26+$0x40]  }
0x7f: {  	v15 =	vld [tilespmem:s25+$0x50]  }
0x80: {  	v16 =	vld [tilespmem:s26+$0x50]  }
0x81: {  	v17 =	vld [tilespmem:s25+$0x60]  }
0x82: {  	v18 =	vld [tilespmem:s26+$0x60]  }
0x83: {  	v19 =	vld [tilespmem:s25+$0x70]  }
0x84: {  	v20 =	vld [tilespmem:s26+$0x70]  }
0x85: {  	v21 =	vld [tilespmem:s30+$0x40]  }
0x86: {  	s29 =	sadd.s32 $0x2, s29;
	v3 =	vmul.f32 v3, v9;
	v5 =	vmul.f32 v5, v6;
	v6 =	vld [tilespmem:s30+$0x50]  }
0x87: {  	p0 =	slt.u32 s29, $0x7E;
	v4 =	vmul.f32 v4, v11;
	v2 =	vmul.f32 v2, v12;
	v9 =	vld [tilespmem:s30+$0x60];
	v11, _, _ =	vpop (xrf2)  }
0x88: {  	v1 =	vmul.f32 v1, v13;
	v12 =	vmul.f32 v16, v15;
	v13 =	vld [tilespmem:s30+$0x70];
	[tilespmem:s28+$0xFFFFFFFF] =	vst.msk vm0, v11  }
0x89: {  	v15 =	vmul.f32 v18, v17;
	v11 =	vld [tilespmem:s26+$0xFFFFFF80];
	v16 =	vmul.f32 v20, v19  }
0x8a: {  	v3 =	vmul.f32 v14, v3;
	v5 =	vmul.f32 v10, v5;
	v17 =	vld [tilespmem:s25+$0xFFFFFF90]  }
0x8b: {  	v4 =	vmul.f32 v7, v4;
	v2 =	vmul.f32 v8, v2;
	v10 =	vld [tilespmem:s26+$0xFFFFFF90]  }
0x8c: {  	v1 =	vmul.f32 v21, v1;
	v6 =	vmul.f32 v6, v12;
	v7 =	vld [tilespmem:s25+$0xFFFFFFA0]  }
0x8d: {  	v9 =	vmul.f32 v9, v15;
	v8 =	vld [tilespmem:s26+$0xFFFFFFA0];
	v12 =	vmul.f32 v13, v16  }
0x8e: {  	v3 =	vadd.f32 v5, v3;
	v2 =	vadd.f32 v2, v4;
	v13 =	vld [tilespmem:s25+$0xFFFFFFB0]  }
0x8f: {  	v1 =	vadd.f32 v6, v1;
	v4 =	vld [tilespmem:s26+$0xFFFFFFB0];
	v5 =	vadd.f32 v12, v9  }
0x90: {  	v9 =	vmul.f32 v10, v17;
	v6 =	vld [tilespmem:s25+$0xFFFFFFC0]  }
0x91: {  	v2 =	vadd.f32 v2, v3;
	v10 =	vld [tilespmem:s26+$0xFFFFFFC0];
	v1 =	vadd.f32 v5, v1  }
0x92: {  	v12 =	vmul.f32 v8, v7;
	v3 =	vld [tilespmem:s25+$0xFFFFFFD0]  }
0x93: {  	v5 =	vld [tilespmem:s26+$0xFFFFFFD0];
	v2 =	vadd.f32 v1, v2  }
0x94: {  	v1 =	vmul.f32 v4, v13;
	v4 =	vld [tilespmem:s25+$0xFFFFFFE0]  }
0x95: {  	v7 =	vld [tilespmem:s26+$0xFFFFFFE0];
	(xrf2) =	vadd.scan.msk.f32 $0xffff, v2  }
0x96: {  	v2 =	vmul.f32 v10, v6;
	v8 =	vld [tilespmem:s25+$0xFFFFFFF0]  }
0x97: {  	v10 =	vld [tilespmem:s26+$0xFFFFFFF0]  }
0x98: {  	v13 =	vld [tilespmem:s25+$0xFFFFFF80];
	v3 =	vmul.f32 v5, v3  }
0x99: {  	v14 =	vld [tilespmem:s30+$0xFFFFFF80]  }
0x9a: {  	v15 =	vld [tilespmem:s30+$0xFFFFFF90];
	v4 =	vmul.f32 v7, v4  }
0x9b: {  	v16 =	vld [tilespmem:s30+$0xFFFFFFA0]  }
.Ltmp3:
0x9c: {  	v6 =	vld [tilespmem:s30+$0xFFFFFFB0];
	v5 =	vmul.f32 v10, v8;
	(pc) =	sbr.rel @p0 .LBB2_7-.Ltmp3, $4  }
0x9d: {  	v10 =	vmul.f32 v11, v13;
	v7 =	vld [tilespmem:s30+$0xFFFFFFC0]  }
0x9e: {  	v8 =	vld [tilespmem:s30+$0xFFFFFFD0]  }
0x9f: {  	s28 =	sadd.s32 $0x2, s28;
	v10 =	vmul.f32 v14, v10;
	v13 =	vmul.f32 v15, v9;
	v9 =	vld [tilespmem:s30+$0xFFFFFFE0];
	v14, _, _ =	vpop (xrf2)  }
0xa0: {  	v12 =	vmul.f32 v16, v12;
	v11 =	vld [tilespmem:s30+$0xFFFFFFF0];
	[tilespmem:s28+$0x0] =	vst.msk vm0, v14;
	s30 =	sadd.s32 $0x100, s30  }
0xa1: {  	_ =	sdelay $0x1  }
0xa2: {  	v1 =	vmul.f32 v6, v1  }
0xa3: {  	v2 =	vmul.f32 v7, v2;
	v3 =	vmul.f32 v8, v3  }
0xa4: {  	v4 =	vmul.f32 v9, v4;
	v5 =	vmul.f32 v11, v5  }
0xa5: {  	v59 =	vadd.f32 v13, v10;
	v1 =	vadd.f32 v1, v12  }
0xa6: {  	v2 =	vadd.f32 v3, v2;
	v3 =	vadd.f32 v5, v4;
	_ =	sdelay $0x1  }
0xa7: {  	v1 =	vadd.f32 v1, v59;
	v2 =	vadd.f32 v3, v2;
	_ =	sdelay $0x1  }
0xa8: {  	v1 =	vadd.f32 v2, v1;
	_ =	sdelay $0x1  }
0xa9: {  	(xrf2) =	vadd.scan.msk.f32 $0xffff, v1;
	_ =	sdelay $0x9  }
0xaa: {  	v1, _, _ =	vpop (xrf2)  }
0xab: {  	[tilespmem:s28+$0xFFFFFFFF] =	vst.msk vm0, v1  }
0xac: {  	v1 =	vld [tilespmem:$0x1C200]  }
0xad: {  	v2 =	vld [tilespmem:$0x1C210]  }
0xae: {  	v3 =	vld [tilespmem:$0x1C220]  }
0xaf: {  	v60 =	vld [tilespmem:$0x1C230]  }
0xb0: {  	v61 =	vld [tilespmem:$0x1C240]  }
0xb1: {  	v62 =	vld [tilespmem:$0x1C250];
	v1 =	vmul.f32 v1, v0  }
0xb2: {  	v63 =	vld [tilespmem:$0x1C260];
	v2 =	vmul.f32 v2, v0  }
0xb3: {  	[tilespmem:$0x1C200] =	vst v1;
	v1 =	vmul.f32 v3, v0;
	v3 =	vld [tilespmem:$0x1C270]  }
0xb4: {  	[tilespmem:$0x1C210] =	vst v2;
	v2 =	vmul.f32 v60, v0  }
0xb5: {  	[tilespmem:$0x1C220] =	vst v1;
	v1 =	vmul.f32 v61, v0  }
0xb6: {  	[tilespmem:$0x1C230] =	vst v2;
	v2 =	vmul.f32 v62, v0  }
0xb7: {  	[tilespmem:$0x1C240] =	vst v1;
	v1 =	vmul.f32 v63, v0  }
0xb8: {  	[tilespmem:$0x1C250] =	vst v2;
	v2 =	vmul.f32 v3, v0  }
0xb9: {  	s0 =	sshll.u32 s23, $0x4;
	p0 =	slt.u32 s24, $0x4;
	[tilespmem:$0x1C260] =	vst v1  }
.Ltmp4:
0xba: {  	s0 =	sadd.s32 s0, s11;
	[tilespmem:$0x1C270] =	vst v2;
	(pc) =	sbr.rel @p0 .LBB2_2-.Ltmp4, $4  }
0xbb: {  	[hbm4b:s0+s5] =	stream.linear.scatter [tilespmem:s20], [sflag:$0x7], $0x80, $0x38;
	[tilespmem:$0x1C380] =	vst v63  }
0xbc: {  	_ =	swait.ge [sflag:s21], $0x80  }
0xbd: {  	[sflag:s21] =	ssyncset.done $0x0  }
0xbe: {  	s23 =	smov.u32 s24;
	[sflag:s21] =	ssyncadd.s32 $0xFFFFFF80  }
0xbf: {  	s22 =	sadd.s32 $0x1, s22  }
0xc0: {  	p0 =	sne.s32 s22, s12  }
.Ltmp5:
0xc1: {  	_ = 	snop;
	(pc) =	sbr.rel @p0 .LBB2_1-.Ltmp5, $1  }
0xc2: {  	_ =	sdelay $0x3  }
0xc3: {  	_ =	sfence.sel $0x180000  }
0xc4: {  	[bflag:$0x0] =	sbarrier.arrive $0xFFFF  }
0xc5: {  	_ =	strace $0x90000047  }
0xc6: {  	[bflag:$0x2] =	sbarrier.arrive $0xFFFF  }
0xc7: {  	p0 =	sne.s32 s4, $0x0;
	s0 =	rddreg [dreg:$0x6]  }
0xc8: {  	s0 =	sadd.s32 @!p0 $0x100000, s0  }
0xc9: {  	[sflag:s0] =	ssyncadd.tile.s32 @!p0 $0x1;
	_ =	shalt  }
.Lfunc_end2:
_tile_overlayer_lowered:
.L_overlay_start_2:
0xca: {  	(tag) =	ssettag $0x2  }
0xcb: {  	s0 =	rddreg [dreg:$0x0];
	s2 =	stileid.u32  }
0xcc: {  	s1 =	rddreg [dreg:$0x1];
	p0 =	sne.s32 s2, $0x0  }
0xcd: {  	s3 =	rddreg [dreg:$0x2];
	[bflag:$0x3] =	sbarrier.arrive $0xFFFF;
	s2 =	simm.s32 @!p0 $0x1C07  }
0xce: {  	[timem:s3], [sflag:s2] =	dma.local @!p0 [hbm:s0], s1  }
0xcf: {  	s0 =	simm.s32 @!p0 $0x7  }
0xd0: {  	_ =	swait.ge @!p0 [sflag:s0], s1  }
0xd1: {  	s1 =	ssub.s32 @!p0 $0x0, s1;
	[sflag:s0] =	ssyncset.done @!p0 $0x0  }
0xd2: {  	[sflag:s0] =	ssyncadd.s32 @!p0 s1  }
0xd3: {  	[bflag:$0x3] =	sbarrier.arrive $0xFFFF  }
0xd4: {  	_ =	shalt  }

</sc_bundles>
